<compile_context>
chip_gen: v7x
topology: tpu7x:2x2x1
jax: 0.10.2.dev20260603
libtpu: 0.0.44.dev20260713+nightly
codegen_flags: <defaults>
</compile_context>

<pallas_src>
import functools

import jax
import jax.numpy as jnp
from jax import lax
from jax.experimental import pallas as pl
from jax.experimental.pallas import tpu as pltpu
from jax.experimental.pallas import tpu_sc as plsc

B = 16384
S = 5
D = 128
C = 128
NC = 2
NS = 16
NW = NC * NS
R_IN = B // NW
R_NZ = B * S // NW
N_IN = R_IN // C
N_NZ = R_NZ // C

W = 2
NPAIR = 3
PSKEW = 2


def _body(iw, ow, nzw, iemb, oemb, o_in, o_out, o_nz,
          idx_i, idx_o, idx_n, big, *rest):
    gsems = rest[:NPAIR * W]
    wsems = rest[NPAIR * W:NPAIR * W + NPAIR]
    isems = rest[NPAIR * W + NPAIR:NPAIR * W + NPAIR + 3]
    wid = lax.axis_index("s") * NC + lax.axis_index("c")

    ic = pltpu.async_copy(iw.at[pl.ds(wid * R_IN, R_IN)], idx_i, isems[0])
    oc = pltpu.async_copy(ow.at[pl.ds(wid * R_IN, R_IN)], idx_o, isems[1])
    nc = pltpu.async_copy(nzw.at[pl.ds(wid * R_NZ, R_NZ)], idx_n, isems[2])
    idx_ready = {id(idx_i): ic, id(idx_o): oc, id(idx_n): nc}

    pa = [(idx_i, j * C, iemb, o_in, wid * R_IN + j * C)
          for j in range(0, N_IN, W)]
    pb = [(idx_o, j * C, oemb, o_out, wid * R_IN + j * C)
          for j in range(0, N_IN, W)]
    pn = [(idx_n, j * C, oemb, o_nz, wid * R_NZ + j * C)
          for j in range(0, N_NZ, W)]
    pairs = []
    while pa or pb or pn:
        if pa:
            pairs.append(pa.pop(0))
        if pb:
            pairs.append(pb.pop(0))
        for _ in range(3):
            if pn:
                pairs.append(pn.pop(0))
    np_ = len(pairs)

    g = [[None] * W for _ in range(NPAIR)]
    w = [None] * NPAIR

    def fire(p):
        r = p % NPAIR
        if w[r] is not None:
            w[r].wait()
            w[r] = None
        idx, ib, tab, _, _ = pairs[p]
        rdy = idx_ready.pop(id(idx), None)
        if rdy is not None:
            rdy.wait()
        for u in range(W):
            g[r][u] = pltpu.async_copy(
                tab.at[idx.at[pl.ds(ib + u * C, C)]],
                big.at[pl.ds((r * W + u) * C, C)], gsems[r * W + u])

    def drain(p):
        r = p % NPAIR
        for u in range(W):
            g[r][u].wait()
        _, _, _, oref, ob = pairs[p]
        w[r] = pltpu.async_copy(
            big.at[pl.ds(r * W * C, W * C)],
            oref.at[pl.ds(ob, W * C)], wsems[r])

    for p in range(np_ + PSKEW):
        if p < np_:
            fire(p)
        if p >= PSKEW:
            drain(p - PSKEW)
    for r in range(NPAIR):
        if w[r] is not None:
            w[r].wait()


@functools.partial(
    pl.kernel,
    out_type=(
        jax.ShapeDtypeStruct((B, D), jnp.float32),
        jax.ShapeDtypeStruct((B, D), jnp.float32),
        jax.ShapeDtypeStruct((S * B, D), jnp.float32),
    ),
    mesh=plsc.VectorSubcoreMesh(core_axis_name="c", subcore_axis_name="s"),
    scratch_types=[
        pltpu.VMEM((R_IN,), jnp.int32),
        pltpu.VMEM((R_IN,), jnp.int32),
        pltpu.VMEM((R_NZ,), jnp.int32),
        pltpu.VMEM((NPAIR * W * C, D), jnp.float32),
        *[pltpu.SemaphoreType.DMA for _ in range(NPAIR * W + NPAIR + 3)],
    ],
)
def _gather_kernel(*refs):
    _body(*refs)


def kernel(input_words, output_words, noise_words, inp_embed, out_embed):
    iw = input_words.astype(jnp.int32)
    ow = output_words.astype(jnp.int32)
    nz = jnp.transpose(noise_words.astype(jnp.int32)).reshape(B * S)
    o_in, o_out, o_nz = _gather_kernel(iw, ow, nz, inp_embed, out_embed)
    return (o_in, o_out, jnp.transpose(o_nz.reshape(S, B, D), (1, 0, 2)))

# --- scband reference (transcript-rebuilt; emitter-appended) ---
"""Pipeline reference for scband-skip-gram-neg-17111149707766 (READ-ONLY COPY).

The authoritative reference and input builder live on the scoring server;
editing this copy changes nothing except your own understanding.
"""

import jax, jax.numpy as jnp
import numpy as np

N_VOCAB = 100000
N_EMBED = 128
BATCH = 16384
N_SAMPLES = 5


def setup_inputs(seed: int = 0) -> dict:
    key = jax.random.key(seed)
    k1, k2, k3, k4, k5 = jax.random.split(key, 5)
    input_words = jax.random.randint(k1, (BATCH,), 0, N_VOCAB, dtype=jnp.int64 if jax.config.jax_enable_x64 else jnp.int32)
    output_words = jax.random.randint(k2, (BATCH,), 0, N_VOCAB, dtype=jnp.int64 if jax.config.jax_enable_x64 else jnp.int32)
    noise_words = jax.random.randint(k3, (BATCH, N_SAMPLES), 0, N_VOCAB, dtype=jnp.int64 if jax.config.jax_enable_x64 else jnp.int32)
    # Embedding tables initialized uniform(-1, 1) as in the torch module
    inp_embed = jax.random.uniform(k4, (N_VOCAB, N_EMBED), dtype=jnp.float32, minval=-1.0, maxval=1.0)
    out_embed = jax.random.uniform(k5, (N_VOCAB, N_EMBED), dtype=jnp.float32, minval=-1.0, maxval=1.0)
    return {
        "input_words": input_words,
        "output_words": output_words,
        "noise_words": noise_words,
        "inp_embed": inp_embed,
        "out_embed": out_embed,
    }


def reference(input_words, output_words, noise_words, inp_embed, out_embed):
    # forward_input: input-word embedding lookup
    inp_vectors = jnp.take(inp_embed, input_words, axis=0)
    # forward_output: context-word embedding lookup
    out_vectors = jnp.take(out_embed, output_words, axis=0)
    # forward_noise: negative-sample embedding lookup, reshaped to [B, n_samples, d]
    b, s = noise_words.shape
    noise_vectors = jnp.take(out_embed, noise_words.reshape(-1), axis=0).reshape(b, s, -1)
    return (inp_vectors, out_vectors, noise_vectors)

if __name__ == "__main__":
    import jax
    _d = setup_inputs()
    print(jax.jit(kernel)(*tuple(_d.values())))

</pallas_src>

<mosaic_0001>
#map = affine_map<(d0, d1) -> (0)>
#map1 = affine_map<(d0, d1) -> (0, 0)>
module attributes {stable_mosaic.version = 14 : i64} {
  func.func @_gather_kernel(%arg0: i32, %arg1: i32, %arg2: memref<16384xi32, #tpu.memory_space<hbm>>, %arg3: memref<16384xi32, #tpu.memory_space<hbm>>, %arg4: memref<81920xi32, #tpu.memory_space<hbm>>, %arg5: memref<100000x128xf32, #tpu.memory_space<hbm>>, %arg6: memref<100000x128xf32, #tpu.memory_space<hbm>>, %arg7: memref<16384x128xf32, #tpu.memory_space<hbm>>, %arg8: memref<16384x128xf32, #tpu.memory_space<hbm>>, %arg9: memref<81920x128xf32, #tpu.memory_space<hbm>>, %arg10: memref<512xi32, #tpu.memory_space<vmem>>, %arg11: memref<512xi32, #tpu.memory_space<vmem>>, %arg12: memref<2560xi32, #tpu.memory_space<vmem>>, %arg13: memref<768x128xf32, #tpu.memory_space<vmem>>, %arg14: memref<!tpu.dma_semaphore, #tpu.memory_space<semaphore_mem>>, %arg15: memref<!tpu.dma_semaphore, #tpu.memory_space<semaphore_mem>>, %arg16: memref<!tpu.dma_semaphore, #tpu.memory_space<semaphore_mem>>, %arg17: memref<!tpu.dma_semaphore, #tpu.memory_space<semaphore_mem>>, %arg18: memref<!tpu.dma_semaphore, #tpu.memory_space<semaphore_mem>>, %arg19: memref<!tpu.dma_semaphore, #tpu.memory_space<semaphore_mem>>, %arg20: memref<!tpu.dma_semaphore, #tpu.memory_space<semaphore_mem>>, %arg21: memref<!tpu.dma_semaphore, #tpu.memory_space<semaphore_mem>>, %arg22: memref<!tpu.dma_semaphore, #tpu.memory_space<semaphore_mem>>, %arg23: memref<!tpu.dma_semaphore, #tpu.memory_space<semaphore_mem>>, %arg24: memref<!tpu.dma_semaphore, #tpu.memory_space<semaphore_mem>>, %arg25: memref<!tpu.dma_semaphore, #tpu.memory_space<semaphore_mem>>) attributes {dimension_semantics = [#tpu.dimension_semantics<core_parallel>, #tpu.dimension_semantics<subcore_parallel>], iteration_bounds = array<i64: 2, 16>, scalar_prefetch = 0 : i64, scratch_operands = 16 : i64, tpu.core_type = #tpu.core_type<sc_vector_subcore>, window_params = [{transform_indices = #map}, {transform_indices = #map}, {transform_indices = #map}, {transform_indices = #map1}, {transform_indices = #map1}, {transform_indices = #map1}, {transform_indices = #map1}, {transform_indices = #map1}]} {
    %mul3A = arith.constant 2 : i32
    %mul3A_0 = arith.muli %arg1, %mul3A : i32
    %add3A = arith.addi %mul3A_0, %arg0 : i32
    %mul3A_1 = arith.constant 512 : i32
    %mul3A_2 = arith.muli %add3A, %mul3A_1 : i32
    %dma_start3A = tpu.memref_slice %arg2[%mul3A_2] : memref<16384xi32, #tpu.memory_space<hbm>> -> memref<512xi32, #tpu.memory_space<hbm>>
    %dma_start3A_3 = tpu.memref_slice %arg2[%mul3A_2] : memref<16384xi32, #tpu.memory_space<hbm>> -> memref<512xi32, #tpu.memory_space<hbm>>
    tpu.enqueue_dma source(%dma_start3A_3 : memref<512xi32, #tpu.memory_space<hbm>>) target(%arg10 : memref<512xi32, #tpu.memory_space<vmem>>) target_semaphore(%arg23 : memref<!tpu.dma_semaphore, #tpu.memory_space<semaphore_mem>>)
    %mul3A_4 = arith.constant 512 : i32
    %mul3A_5 = arith.muli %add3A, %mul3A_4 : i32
    %dma_start3A_6 = tpu.memref_slice %arg3[%mul3A_5] : memref<16384xi32, #tpu.memory_space<hbm>> -> memref<512xi32, #tpu.memory_space<hbm>>
    %dma_start3A_7 = tpu.memref_slice %arg3[%mul3A_5] : memref<16384xi32, #tpu.memory_space<hbm>> -> memref<512xi32, #tpu.memory_space<hbm>>
    tpu.enqueue_dma source(%dma_start3A_7 : memref<512xi32, #tpu.memory_space<hbm>>) target(%arg11 : memref<512xi32, #tpu.memory_space<vmem>>) target_semaphore(%arg24 : memref<!tpu.dma_semaphore, #tpu.memory_space<semaphore_mem>>)
    %mul3A_8 = arith.constant 2560 : i32
    %mul3A_9 = arith.muli %add3A, %mul3A_8 : i32
    %dma_start3A_10 = tpu.memref_slice %arg4[%mul3A_9] : memref<81920xi32, #tpu.memory_space<hbm>> -> memref<2560xi32, #tpu.memory_space<hbm>>
    %dma_start3A_11 = tpu.memref_slice %arg4[%mul3A_9] : memref<81920xi32, #tpu.memory_space<hbm>> -> memref<2560xi32, #tpu.memory_space<hbm>>
    tpu.enqueue_dma source(%dma_start3A_11 : memref<2560xi32, #tpu.memory_space<hbm>>) target(%arg12 : memref<2560xi32, #tpu.memory_space<vmem>>) target_semaphore(%arg25 : memref<!tpu.dma_semaphore, #tpu.memory_space<semaphore_mem>>)
    %mul3A_12 = arith.constant 512 : i32
    %mul3A_13 = arith.muli %add3A, %mul3A_12 : i32
    %add3A_14 = arith.constant 0 : i32
    %add3A_15 = arith.addi %mul3A_13, %add3A_14 : i32
    %mul3A_16 = arith.constant 512 : i32
    %mul3A_17 = arith.muli %add3A, %mul3A_16 : i32
    %add3A_18 = arith.constant 256 : i32
    %add3A_19 = arith.addi %mul3A_17, %add3A_18 : i32
    %mul3A_20 = arith.constant 512 : i32
    %mul3A_21 = arith.muli %add3A, %mul3A_20 : i32
    %add3A_22 = arith.constant 0 : i32
    %add3A_23 = arith.addi %mul3A_21, %add3A_22 : i32
    %mul3A_24 = arith.constant 512 : i32
    %mul3A_25 = arith.muli %add3A, %mul3A_24 : i32
    %add3A_26 = arith.constant 256 : i32
    %add3A_27 = arith.addi %mul3A_25, %add3A_26 : i32
    %mul3A_28 = arith.constant 2560 : i32
    %mul3A_29 = arith.muli %add3A, %mul3A_28 : i32
    %add3A_30 = arith.constant 0 : i32
    %add3A_31 = arith.addi %mul3A_29, %add3A_30 : i32
    %mul3A_32 = arith.constant 2560 : i32
    %mul3A_33 = arith.muli %add3A, %mul3A_32 : i32
    %add3A_34 = arith.constant 256 : i32
    %add3A_35 = arith.addi %mul3A_33, %add3A_34 : i32
    %mul3A_36 = arith.constant 2560 : i32
    %mul3A_37 = arith.muli %add3A, %mul3A_36 : i32
    %add3A_38 = arith.constant 512 : i32
    %add3A_39 = arith.addi %mul3A_37, %add3A_38 : i32
    %mul3A_40 = arith.constant 2560 : i32
    %mul3A_41 = arith.muli %add3A, %mul3A_40 : i32
    %add3A_42 = arith.constant 768 : i32
    %add3A_43 = arith.addi %mul3A_41, %add3A_42 : i32
    %mul3A_44 = arith.constant 2560 : i32
    %mul3A_45 = arith.muli %add3A, %mul3A_44 : i32
    %add3A_46 = arith.constant 1024 : i32
    %add3A_47 = arith.addi %mul3A_45, %add3A_46 : i32
    %mul3A_48 = arith.constant 2560 : i32
    %mul3A_49 = arith.muli %add3A, %mul3A_48 : i32
    %add3A_50 = arith.constant 1280 : i32
    %add3A_51 = arith.addi %mul3A_49, %add3A_50 : i32
    %mul3A_52 = arith.constant 2560 : i32
    %mul3A_53 = arith.muli %add3A, %mul3A_52 : i32
    %add3A_54 = arith.constant 1536 : i32
    %add3A_55 = arith.addi %mul3A_53, %add3A_54 : i32
    %mul3A_56 = arith.constant 2560 : i32
    %mul3A_57 = arith.muli %add3A, %mul3A_56 : i32
    %add3A_58 = arith.constant 1792 : i32
    %add3A_59 = arith.addi %mul3A_57, %add3A_58 : i32
    %mul3A_60 = arith.constant 2560 : i32
    %mul3A_61 = arith.muli %add3A, %mul3A_60 : i32
    %add3A_62 = arith.constant 2048 : i32
    %add3A_63 = arith.addi %mul3A_61, %add3A_62 : i32
    %mul3A_64 = arith.constant 2560 : i32
    %mul3A_65 = arith.muli %add3A, %mul3A_64 : i32
    %add3A_66 = arith.constant 2304 : i32
    %add3A_67 = arith.addi %mul3A_65, %add3A_66 : i32
    %dma_wait3A = tpu.memref_slice %arg2[%mul3A_2] : memref<16384xi32, #tpu.memory_space<hbm>> -> memref<512xi32, #tpu.memory_space<hbm>>
    %dma_wait3A_68 = tpu.memref_slice %arg2[%mul3A_2] : memref<16384xi32, #tpu.memory_space<hbm>> -> memref<512xi32, #tpu.memory_space<hbm>>
    tpu.wait_dma2 semaphore(%arg23 : memref<!tpu.dma_semaphore, #tpu.memory_space<semaphore_mem>>) src(%dma_wait3A_68 : memref<512xi32, #tpu.memory_space<hbm>>) dst(%arg10 : memref<512xi32, #tpu.memory_space<vmem>>)
    %dma_start3A_69 = arith.constant 0 : i32
    %dma_start3A_70 = arith.constant 0 : i32
    %dma_start3A_71 = tpu.memref_slice %arg13[%dma_start3A_69, %dma_start3A_70] : memref<768x128xf32, #tpu.memory_space<vmem>> -> memref<128x128xf32, #tpu.memory_space<vmem>>
    %dma_start3A_72 = arith.constant 0 : i32
    %dma_start3A_73 = tpu.memref_slice %arg10[%dma_start3A_72] : memref<512xi32, #tpu.memory_space<vmem>> -> memref<128xi32, #tpu.memory_space<vmem>>
    %dma_start3A_74 = arith.constant 0 : i32
    %dma_start3A_75 = arith.constant 0 : i32
    %dma_start3A_76 = tpu.memref_slice %arg5[%dma_start3A_74, %dma_start3A_75] : memref<100000x128xf32, #tpu.memory_space<hbm>> -> memref<100000x128xf32, #tpu.memory_space<hbm>>
    tpu.enqueue_indirect_dma source(%dma_start3A_76 : memref<100000x128xf32, #tpu.memory_space<hbm>>) target(%dma_start3A_71 : memref<128x128xf32, #tpu.memory_space<vmem>>) offsets(%dma_start3A_73 : memref<128xi32, #tpu.memory_space<vmem>>) semaphore(%arg14 : memref<!tpu.dma_semaphore, #tpu.memory_space<semaphore_mem>>)
    %dma_start3A_77 = arith.constant 128 : i32
    %dma_start3A_78 = arith.constant 0 : i32
    %dma_start3A_79 = tpu.memref_slice %arg13[%dma_start3A_77, %dma_start3A_78] : memref<768x128xf32, #tpu.memory_space<vmem>> -> memref<128x128xf32, #tpu.memory_space<vmem>>
    %dma_start3A_80 = arith.constant 128 : i32
    %dma_start3A_81 = tpu.memref_slice %arg10[%dma_start3A_80] : memref<512xi32, #tpu.memory_space<vmem>> -> memref<128xi32, #tpu.memory_space<vmem>>
    %dma_start3A_82 = arith.constant 0 : i32
    %dma_start3A_83 = arith.constant 0 : i32
    %dma_start3A_84 = tpu.memref_slice %arg5[%dma_start3A_82, %dma_start3A_83] : memref<100000x128xf32, #tpu.memory_space<hbm>> -> memref<100000x128xf32, #tpu.memory_space<hbm>>
    tpu.enqueue_indirect_dma source(%dma_start3A_84 : memref<100000x128xf32, #tpu.memory_space<hbm>>) target(%dma_start3A_79 : memref<128x128xf32, #tpu.memory_space<vmem>>) offsets(%dma_start3A_81 : memref<128xi32, #tpu.memory_space<vmem>>) semaphore(%arg15 : memref<!tpu.dma_semaphore, #tpu.memory_space<semaphore_mem>>)
    %dma_wait3A_85 = tpu.memref_slice %arg3[%mul3A_5] : memref<16384xi32, #tpu.memory_space<hbm>> -> memref<512xi32, #tpu.memory_space<hbm>>
    %dma_wait3A_86 = tpu.memref_slice %arg3[%mul3A_5] : memref<16384xi32, #tpu.memory_space<hbm>> -> memref<512xi32, #tpu.memory_space<hbm>>
    tpu.wait_dma2 semaphore(%arg24 : memref<!tpu.dma_semaphore, #tpu.memory_space<semaphore_mem>>) src(%dma_wait3A_86 : memref<512xi32, #tpu.memory_space<hbm>>) dst(%arg11 : memref<512xi32, #tpu.memory_space<vmem>>)
    %dma_start3A_87 = arith.constant 256 : i32
    %dma_start3A_88 = arith.constant 0 : i32
    %dma_start3A_89 = tpu.memref_slice %arg13[%dma_start3A_87, %dma_start3A_88] : memref<768x128xf32, #tpu.memory_space<vmem>> -> memref<128x128xf32, #tpu.memory_space<vmem>>
    %dma_start3A_90 = arith.constant 0 : i32
    %dma_start3A_91 = tpu.memref_slice %arg11[%dma_start3A_90] : memref<512xi32, #tpu.memory_space<vmem>> -> memref<128xi32, #tpu.memory_space<vmem>>
    %dma_start3A_92 = arith.constant 0 : i32
    %dma_start3A_93 = arith.constant 0 : i32
    %dma_start3A_94 = tpu.memref_slice %arg6[%dma_start3A_92, %dma_start3A_93] : memref<100000x128xf32, #tpu.memory_space<hbm>> -> memref<100000x128xf32, #tpu.memory_space<hbm>>
    tpu.enqueue_indirect_dma source(%dma_start3A_94 : memref<100000x128xf32, #tpu.memory_space<hbm>>) target(%dma_start3A_89 : memref<128x128xf32, #tpu.memory_space<vmem>>) offsets(%dma_start3A_91 : memref<128xi32, #tpu.memory_space<vmem>>) semaphore(%arg16 : memref<!tpu.dma_semaphore, #tpu.memory_space<semaphore_mem>>)
    %dma_start3A_95 = arith.constant 384 : i32
    %dma_start3A_96 = arith.constant 0 : i32
    %dma_start3A_97 = tpu.memref_slice %arg13[%dma_start3A_95, %dma_start3A_96] : memref<768x128xf32, #tpu.memory_space<vmem>> -> memref<128x128xf32, #tpu.memory_space<vmem>>
    %dma_start3A_98 = arith.constant 128 : i32
    %dma_start3A_99 = tpu.memref_slice %arg11[%dma_start3A_98] : memref<512xi32, #tpu.memory_space<vmem>> -> memref<128xi32, #tpu.memory_space<vmem>>
    %dma_start3A_100 = arith.constant 0 : i32
    %dma_start3A_101 = arith.constant 0 : i32
    %dma_start3A_102 = tpu.memref_slice %arg6[%dma_start3A_100, %dma_start3A_101] : memref<100000x128xf32, #tpu.memory_space<hbm>> -> memref<100000x128xf32, #tpu.memory_space<hbm>>
    tpu.enqueue_indirect_dma source(%dma_start3A_102 : memref<100000x128xf32, #tpu.memory_space<hbm>>) target(%dma_start3A_97 : memref<128x128xf32, #tpu.memory_space<vmem>>) offsets(%dma_start3A_99 : memref<128xi32, #tpu.memory_space<vmem>>) semaphore(%arg17 : memref<!tpu.dma_semaphore, #tpu.memory_space<semaphore_mem>>)
    %dma_wait3A_103 = tpu.memref_slice %arg4[%mul3A_9] : memref<81920xi32, #tpu.memory_space<hbm>> -> memref<2560xi32, #tpu.memory_space<hbm>>
    %dma_wait3A_104 = tpu.memref_slice %arg4[%mul3A_9] : memref<81920xi32, #tpu.memory_space<hbm>> -> memref<2560xi32, #tpu.memory_space<hbm>>
    tpu.wait_dma2 semaphore(%arg25 : memref<!tpu.dma_semaphore, #tpu.memory_space<semaphore_mem>>) src(%dma_wait3A_104 : memref<2560xi32, #tpu.memory_space<hbm>>) dst(%arg12 : memref<2560xi32, #tpu.memory_space<vmem>>)
    %dma_start3A_105 = arith.constant 512 : i32
    %dma_start3A_106 = arith.constant 0 : i32
    %dma_start3A_107 = tpu.memref_slice %arg13[%dma_start3A_105, %dma_start3A_106] : memref<768x128xf32, #tpu.memory_space<vmem>> -> memref<128x128xf32, #tpu.memory_space<vmem>>
    %dma_start3A_108 = arith.constant 0 : i32
    %dma_start3A_109 = tpu.memref_slice %arg12[%dma_start3A_108] : memref<2560xi32, #tpu.memory_space<vmem>> -> memref<128xi32, #tpu.memory_space<vmem>>
    %dma_start3A_110 = arith.constant 0 : i32
    %dma_start3A_111 = arith.constant 0 : i32
    %dma_start3A_112 = tpu.memref_slice %arg6[%dma_start3A_110, %dma_start3A_111] : memref<100000x128xf32, #tpu.memory_space<hbm>> -> memref<100000x128xf32, #tpu.memory_space<hbm>>
    tpu.enqueue_indirect_dma source(%dma_start3A_112 : memref<100000x128xf32, #tpu.memory_space<hbm>>) target(%dma_start3A_107 : memref<128x128xf32, #tpu.memory_space<vmem>>) offsets(%dma_start3A_109 : memref<128xi32, #tpu.memory_space<vmem>>) semaphore(%arg18 : memref<!tpu.dma_semaphore, #tpu.memory_space<semaphore_mem>>)
    %dma_start3A_113 = arith.constant 640 : i32
    %dma_start3A_114 = arith.constant 0 : i32
    %dma_start3A_115 = tpu.memref_slice %arg13[%dma_start3A_113, %dma_start3A_114] : memref<768x128xf32, #tpu.memory_space<vmem>> -> memref<128x128xf32, #tpu.memory_space<vmem>>
    %dma_start3A_116 = arith.constant 128 : i32
    %dma_start3A_117 = tpu.memref_slice %arg12[%dma_start3A_116] : memref<2560xi32, #tpu.memory_space<vmem>> -> memref<128xi32, #tpu.memory_space<vmem>>
    %dma_start3A_118 = arith.constant 0 : i32
    %dma_start3A_119 = arith.constant 0 : i32
    %dma_start3A_120 = tpu.memref_slice %arg6[%dma_start3A_118, %dma_start3A_119] : memref<100000x128xf32, #tpu.memory_space<hbm>> -> memref<100000x128xf32, #tpu.memory_space<hbm>>
    tpu.enqueue_indirect_dma source(%dma_start3A_120 : memref<100000x128xf32, #tpu.memory_space<hbm>>) target(%dma_start3A_115 : memref<128x128xf32, #tpu.memory_space<vmem>>) offsets(%dma_start3A_117 : memref<128xi32, #tpu.memory_space<vmem>>) semaphore(%arg19 : memref<!tpu.dma_semaphore, #tpu.memory_space<semaphore_mem>>)
    %dma_wait3A_121 = arith.constant 0 : i32
    %dma_wait3A_122 = arith.constant 0 : i32
    %dma_wait3A_123 = tpu.memref_slice %arg13[%dma_wait3A_121, %dma_wait3A_122] : memref<768x128xf32, #tpu.memory_space<vmem>> -> memref<128x128xf32, #tpu.memory_space<vmem>>
    %dma_wait3A_124 = arith.constant 0 : i32
    %dma_wait3A_125 = tpu.memref_slice %arg10[%dma_wait3A_124] : memref<512xi32, #tpu.memory_space<vmem>> -> memref<128xi32, #tpu.memory_space<vmem>>
    %dma_wait3A_126 = arith.constant 0 : i32
    %dma_wait3A_127 = arith.constant 0 : i32
    %dma_wait3A_128 = tpu.memref_slice %arg5[%dma_wait3A_126, %dma_wait3A_127] : memref<100000x128xf32, #tpu.memory_space<hbm>> -> memref<100000x128xf32, #tpu.memory_space<hbm>>
    tpu.wait_indirect_dma semaphore(%arg14 : memref<!tpu.dma_semaphore, #tpu.memory_space<semaphore_mem>>) src(%dma_wait3A_128 : memref<100000x128xf32, #tpu.memory_space<hbm>>) dst(%dma_wait3A_123 : memref<128x128xf32, #tpu.memory_space<vmem>>)
    %dma_wait3A_129 = arith.constant 128 : i32
    %dma_wait3A_130 = arith.constant 0 : i32
    %dma_wait3A_131 = tpu.memref_slice %arg13[%dma_wait3A_129, %dma_wait3A_130] : memref<768x128xf32, #tpu.memory_space<vmem>> -> memref<128x128xf32, #tpu.memory_space<vmem>>
    %dma_wait3A_132 = arith.constant 128 : i32
    %dma_wait3A_133 = tpu.memref_slice %arg10[%dma_wait3A_132] : memref<512xi32, #tpu.memory_space<vmem>> -> memref<128xi32, #tpu.memory_space<vmem>>
    %dma_wait3A_134 = arith.constant 0 : i32
    %dma_wait3A_135 = arith.constant 0 : i32
    %dma_wait3A_136 = tpu.memref_slice %arg5[%dma_wait3A_134, %dma_wait3A_135] : memref<100000x128xf32, #tpu.memory_space<hbm>> -> memref<100000x128xf32, #tpu.memory_space<hbm>>
    tpu.wait_indirect_dma semaphore(%arg15 : memref<!tpu.dma_semaphore, #tpu.memory_space<semaphore_mem>>) src(%dma_wait3A_136 : memref<100000x128xf32, #tpu.memory_space<hbm>>) dst(%dma_wait3A_131 : memref<128x128xf32, #tpu.memory_space<vmem>>)
    %dma_start3A_137 = arith.constant 0 : i32
    %dma_start3A_138 = arith.constant 0 : i32
    %dma_start3A_139 = tpu.memref_slice %arg13[%dma_start3A_137, %dma_start3A_138] : memref<768x128xf32, #tpu.memory_space<vmem>> -> memref<256x128xf32, #tpu.memory_space<vmem>>
    %dma_start3A_140 = arith.constant 0 : i32
    %dma_start3A_141 = tpu.memref_slice %arg7[%add3A_15, %dma_start3A_140] : memref<16384x128xf32, #tpu.memory_space<hbm>> -> memref<256x128xf32, #tpu.memory_space<hbm>>
    %dma_start3A_142 = arith.constant 0 : i32
    %dma_start3A_143 = tpu.memref_slice %arg7[%add3A_15, %dma_start3A_142] : memref<16384x128xf32, #tpu.memory_space<hbm>> -> memref<256x128xf32, #tpu.memory_space<hbm>>
    %dma_start3A_144 = arith.constant 0 : i32
    %dma_start3A_145 = arith.constant 0 : i32
    %dma_start3A_146 = tpu.memref_slice %arg13[%dma_start3A_144, %dma_start3A_145] : memref<768x128xf32, #tpu.memory_space<vmem>> -> memref<256x128xf32, #tpu.memory_space<vmem>>
    tpu.enqueue_dma source(%dma_start3A_146 : memref<256x128xf32, #tpu.memory_space<vmem>>) target(%dma_start3A_143 : memref<256x128xf32, #tpu.memory_space<hbm>>) target_semaphore(%arg20 : memref<!tpu.dma_semaphore, #tpu.memory_space<semaphore_mem>>)
    %dma_wait3A_147 = arith.constant 0 : i32
    %dma_wait3A_148 = arith.constant 0 : i32
    %dma_wait3A_149 = tpu.memref_slice %arg13[%dma_wait3A_147, %dma_wait3A_148] : memref<768x128xf32, #tpu.memory_space<vmem>> -> memref<256x128xf32, #tpu.memory_space<vmem>>
    %dma_wait3A_150 = arith.constant 0 : i32
    %dma_wait3A_151 = tpu.memref_slice %arg7[%add3A_15, %dma_wait3A_150] : memref<16384x128xf32, #tpu.memory_space<hbm>> -> memref<256x128xf32, #tpu.memory_space<hbm>>
    %dma_wait3A_152 = arith.constant 0 : i32
    %dma_wait3A_153 = tpu.memref_slice %arg7[%add3A_15, %dma_wait3A_152] : memref<16384x128xf32, #tpu.memory_space<hbm>> -> memref<256x128xf32, #tpu.memory_space<hbm>>
    %dma_wait3A_154 = arith.constant 0 : i32
    %dma_wait3A_155 = arith.constant 0 : i32
    %dma_wait3A_156 = tpu.memref_slice %arg13[%dma_wait3A_154, %dma_wait3A_155] : memref<768x128xf32, #tpu.memory_space<vmem>> -> memref<256x128xf32, #tpu.memory_space<vmem>>
    tpu.wait_dma2 semaphore(%arg20 : memref<!tpu.dma_semaphore, #tpu.memory_space<semaphore_mem>>) src(%dma_wait3A_156 : memref<256x128xf32, #tpu.memory_space<vmem>>) dst(%dma_wait3A_153 : memref<256x128xf32, #tpu.memory_space<hbm>>)
    %dma_start3A_157 = arith.constant 0 : i32
    %dma_start3A_158 = arith.constant 0 : i32
    %dma_start3A_159 = tpu.memref_slice %arg13[%dma_start3A_157, %dma_start3A_158] : memref<768x128xf32, #tpu.memory_space<vmem>> -> memref<128x128xf32, #tpu.memory_space<vmem>>
    %dma_start3A_160 = arith.constant 256 : i32
    %dma_start3A_161 = tpu.memref_slice %arg12[%dma_start3A_160] : memref<2560xi32, #tpu.memory_space<vmem>> -> memref<128xi32, #tpu.memory_space<vmem>>
    %dma_start3A_162 = arith.constant 0 : i32
    %dma_start3A_163 = arith.constant 0 : i32
    %dma_start3A_164 = tpu.memref_slice %arg6[%dma_start3A_162, %dma_start3A_163] : memref<100000x128xf32, #tpu.memory_space<hbm>> -> memref<100000x128xf32, #tpu.memory_space<hbm>>
    tpu.enqueue_indirect_dma source(%dma_start3A_164 : memref<100000x128xf32, #tpu.memory_space<hbm>>) target(%dma_start3A_159 : memref<128x128xf32, #tpu.memory_space<vmem>>) offsets(%dma_start3A_161 : memref<128xi32, #tpu.memory_space<vmem>>) semaphore(%arg14 : memref<!tpu.dma_semaphore, #tpu.memory_space<semaphore_mem>>)
    %dma_start3A_165 = arith.constant 128 : i32
    %dma_start3A_166 = arith.constant 0 : i32
    %dma_start3A_167 = tpu.memref_slice %arg13[%dma_start3A_165, %dma_start3A_166] : memref<768x128xf32, #tpu.memory_space<vmem>> -> memref<128x128xf32, #tpu.memory_space<vmem>>
    %dma_start3A_168 = arith.constant 384 : i32
    %dma_start3A_169 = tpu.memref_slice %arg12[%dma_start3A_168] : memref<2560xi32, #tpu.memory_space<vmem>> -> memref<128xi32, #tpu.memory_space<vmem>>
    %dma_start3A_170 = arith.constant 0 : i32
    %dma_start3A_171 = arith.constant 0 : i32
    %dma_start3A_172 = tpu.memref_slice %arg6[%dma_start3A_170, %dma_start3A_171] : memref<100000x128xf32, #tpu.memory_space<hbm>> -> memref<100000x128xf32, #tpu.memory_space<hbm>>
    tpu.enqueue_indirect_dma source(%dma_start3A_172 : memref<100000x128xf32, #tpu.memory_space<hbm>>) target(%dma_start3A_167 : memref<128x128xf32, #tpu.memory_space<vmem>>) offsets(%dma_start3A_169 : memref<128xi32, #tpu.memory_space<vmem>>) semaphore(%arg15 : memref<!tpu.dma_semaphore, #tpu.memory_space<semaphore_mem>>)
    %dma_wait3A_173 = arith.constant 256 : i32
    %dma_wait3A_174 = arith.constant 0 : i32
    %dma_wait3A_175 = tpu.memref_slice %arg13[%dma_wait3A_173, %dma_wait3A_174] : memref<768x128xf32, #tpu.memory_space<vmem>> -> memref<128x128xf32, #tpu.memory_space<vmem>>
    %dma_wait3A_176 = arith.constant 0 : i32
    %dma_wait3A_177 = tpu.memref_slice %arg11[%dma_wait3A_176] : memref<512xi32, #tpu.memory_space<vmem>> -> memref<128xi32, #tpu.memory_space<vmem>>
    %dma_wait3A_178 = arith.constant 0 : i32
    %dma_wait3A_179 = arith.constant 0 : i32
    %dma_wait3A_180 = tpu.memref_slice %arg6[%dma_wait3A_178, %dma_wait3A_179] : memref<100000x128xf32, #tpu.memory_space<hbm>> -> memref<100000x128xf32, #tpu.memory_space<hbm>>
    tpu.wait_indirect_dma semaphore(%arg16 : memref<!tpu.dma_semaphore, #tpu.memory_space<semaphore_mem>>) src(%dma_wait3A_180 : memref<100000x128xf32, #tpu.memory_space<hbm>>) dst(%dma_wait3A_175 : memref<128x128xf32, #tpu.memory_space<vmem>>)
    %dma_wait3A_181 = arith.constant 384 : i32
    %dma_wait3A_182 = arith.constant 0 : i32
    %dma_wait3A_183 = tpu.memref_slice %arg13[%dma_wait3A_181, %dma_wait3A_182] : memref<768x128xf32, #tpu.memory_space<vmem>> -> memref<128x128xf32, #tpu.memory_space<vmem>>
    %dma_wait3A_184 = arith.constant 128 : i32
    %dma_wait3A_185 = tpu.memref_slice %arg11[%dma_wait3A_184] : memref<512xi32, #tpu.memory_space<vmem>> -> memref<128xi32, #tpu.memory_space<vmem>>
    %dma_wait3A_186 = arith.constant 0 : i32
    %dma_wait3A_187 = arith.constant 0 : i32
    %dma_wait3A_188 = tpu.memref_slice %arg6[%dma_wait3A_186, %dma_wait3A_187] : memref<100000x128xf32, #tpu.memory_space<hbm>> -> memref<100000x128xf32, #tpu.memory_space<hbm>>
    tpu.wait_indirect_dma semaphore(%arg17 : memref<!tpu.dma_semaphore, #tpu.memory_space<semaphore_mem>>) src(%dma_wait3A_188 : memref<100000x128xf32, #tpu.memory_space<hbm>>) dst(%dma_wait3A_183 : memref<128x128xf32, #tpu.memory_space<vmem>>)
    %dma_start3A_189 = arith.constant 256 : i32
    %dma_start3A_190 = arith.constant 0 : i32
    %dma_start3A_191 = tpu.memref_slice %arg13[%dma_start3A_189, %dma_start3A_190] : memref<768x128xf32, #tpu.memory_space<vmem>> -> memref<256x128xf32, #tpu.memory_space<vmem>>
    %dma_start3A_192 = arith.constant 0 : i32
    %dma_start3A_193 = tpu.memref_slice %arg8[%add3A_23, %dma_start3A_192] : memref<16384x128xf32, #tpu.memory_space<hbm>> -> memref<256x128xf32, #tpu.memory_space<hbm>>
    %dma_start3A_194 = arith.constant 0 : i32
    %dma_start3A_195 = tpu.memref_slice %arg8[%add3A_23, %dma_start3A_194] : memref<16384x128xf32, #tpu.memory_space<hbm>> -> memref<256x128xf32, #tpu.memory_space<hbm>>
    %dma_start3A_196 = arith.constant 256 : i32
    %dma_start3A_197 = arith.constant 0 : i32
    %dma_start3A_198 = tpu.memref_slice %arg13[%dma_start3A_196, %dma_start3A_197] : memref<768x128xf32, #tpu.memory_space<vmem>> -> memref<256x128xf32, #tpu.memory_space<vmem>>
    tpu.enqueue_dma source(%dma_start3A_198 : memref<256x128xf32, #tpu.memory_space<vmem>>) target(%dma_start3A_195 : memref<256x128xf32, #tpu.memory_space<hbm>>) target_semaphore(%arg21 : memref<!tpu.dma_semaphore, #tpu.memory_space<semaphore_mem>>)
    %dma_wait3A_199 = arith.constant 256 : i32
    %dma_wait3A_200 = arith.constant 0 : i32
    %dma_wait3A_201 = tpu.memref_slice %arg13[%dma_wait3A_199, %dma_wait3A_200] : memref<768x128xf32, #tpu.memory_space<vmem>> -> memref<256x128xf32, #tpu.memory_space<vmem>>
    %dma_wait3A_202 = arith.constant 0 : i32
    %dma_wait3A_203 = tpu.memref_slice %arg8[%add3A_23, %dma_wait3A_202] : memref<16384x128xf32, #tpu.memory_space<hbm>> -> memref<256x128xf32, #tpu.memory_space<hbm>>
    %dma_wait3A_204 = arith.constant 0 : i32
    %dma_wait3A_205 = tpu.memref_slice %arg8[%add3A_23, %dma_wait3A_204] : memref<16384x128xf32, #tpu.memory_space<hbm>> -> memref<256x128xf32, #tpu.memory_space<hbm>>
    %dma_wait3A_206 = arith.constant 256 : i32
    %dma_wait3A_207 = arith.constant 0 : i32
    %dma_wait3A_208 = tpu.memref_slice %arg13[%dma_wait3A_206, %dma_wait3A_207] : memref<768x128xf32, #tpu.memory_space<vmem>> -> memref<256x128xf32, #tpu.memory_space<vmem>>
    tpu.wait_dma2 semaphore(%arg21 : memref<!tpu.dma_semaphore, #tpu.memory_space<semaphore_mem>>) src(%dma_wait3A_208 : memref<256x128xf32, #tpu.memory_space<vmem>>) dst(%dma_wait3A_205 : memref<256x128xf32, #tpu.memory_space<hbm>>)
    %dma_start3A_209 = arith.constant 256 : i32
    %dma_start3A_210 = arith.constant 0 : i32
    %dma_start3A_211 = tpu.memref_slice %arg13[%dma_start3A_209, %dma_start3A_210] : memref<768x128xf32, #tpu.memory_space<vmem>> -> memref<128x128xf32, #tpu.memory_space<vmem>>
    %dma_start3A_212 = arith.constant 512 : i32
    %dma_start3A_213 = tpu.memref_slice %arg12[%dma_start3A_212] : memref<2560xi32, #tpu.memory_space<vmem>> -> memref<128xi32, #tpu.memory_space<vmem>>
    %dma_start3A_214 = arith.constant 0 : i32
    %dma_start3A_215 = arith.constant 0 : i32
    %dma_start3A_216 = tpu.memref_slice %arg6[%dma_start3A_214, %dma_start3A_215] : memref<100000x128xf32, #tpu.memory_space<hbm>> -> memref<100000x128xf32, #tpu.memory_space<hbm>>
    tpu.enqueue_indirect_dma source(%dma_start3A_216 : memref<100000x128xf32, #tpu.memory_space<hbm>>) target(%dma_start3A_211 : memref<128x128xf32, #tpu.memory_space<vmem>>) offsets(%dma_start3A_213 : memref<128xi32, #tpu.memory_space<vmem>>) semaphore(%arg16 : memref<!tpu.dma_semaphore, #tpu.memory_space<semaphore_mem>>)
    %dma_start3A_217 = arith.constant 384 : i32
    %dma_start3A_218 = arith.constant 0 : i32
    %dma_start3A_219 = tpu.memref_slice %arg13[%dma_start3A_217, %dma_start3A_218] : memref<768x128xf32, #tpu.memory_space<vmem>> -> memref<128x128xf32, #tpu.memory_space<vmem>>
    %dma_start3A_220 = arith.constant 640 : i32
    %dma_start3A_221 = tpu.memref_slice %arg12[%dma_start3A_220] : memref<2560xi32, #tpu.memory_space<vmem>> -> memref<128xi32, #tpu.memory_space<vmem>>
    %dma_start3A_222 = arith.constant 0 : i32
    %dma_start3A_223 = arith.constant 0 : i32
    %dma_start3A_224 = tpu.memref_slice %arg6[%dma_start3A_222, %dma_start3A_223] : memref<100000x128xf32, #tpu.memory_space<hbm>> -> memref<100000x128xf32, #tpu.memory_space<hbm>>
    tpu.enqueue_indirect_dma source(%dma_start3A_224 : memref<100000x128xf32, #tpu.memory_space<hbm>>) target(%dma_start3A_219 : memref<128x128xf32, #tpu.memory_space<vmem>>) offsets(%dma_start3A_221 : memref<128xi32, #tpu.memory_space<vmem>>) semaphore(%arg17 : memref<!tpu.dma_semaphore, #tpu.memory_space<semaphore_mem>>)
    %dma_wait3A_225 = arith.constant 512 : i32
    %dma_wait3A_226 = arith.constant 0 : i32
    %dma_wait3A_227 = tpu.memref_slice %arg13[%dma_wait3A_225, %dma_wait3A_226] : memref<768x128xf32, #tpu.memory_space<vmem>> -> memref<128x128xf32, #tpu.memory_space<vmem>>
    %dma_wait3A_228 = arith.constant 0 : i32
    %dma_wait3A_229 = tpu.memref_slice %arg12[%dma_wait3A_228] : memref<2560xi32, #tpu.memory_space<vmem>> -> memref<128xi32, #tpu.memory_space<vmem>>
    %dma_wait3A_230 = arith.constant 0 : i32
    %dma_wait3A_231 = arith.constant 0 : i32
    %dma_wait3A_232 = tpu.memref_slice %arg6[%dma_wait3A_230, %dma_wait3A_231] : memref<100000x128xf32, #tpu.memory_space<hbm>> -> memref<100000x128xf32, #tpu.memory_space<hbm>>
    tpu.wait_indirect_dma semaphore(%arg18 : memref<!tpu.dma_semaphore, #tpu.memory_space<semaphore_mem>>) src(%dma_wait3A_232 : memref<100000x128xf32, #tpu.memory_space<hbm>>) dst(%dma_wait3A_227 : memref<128x128xf32, #tpu.memory_space<vmem>>)
    %dma_wait3A_233 = arith.constant 640 : i32
    %dma_wait3A_234 = arith.constant 0 : i32
    %dma_wait3A_235 = tpu.memref_slice %arg13[%dma_wait3A_233, %dma_wait3A_234] : memref<768x128xf32, #tpu.memory_space<vmem>> -> memref<128x128xf32, #tpu.memory_space<vmem>>
    %dma_wait3A_236 = arith.constant 128 : i32
    %dma_wait3A_237 = tpu.memref_slice %arg12[%dma_wait3A_236] : memref<2560xi32, #tpu.memory_space<vmem>> -> memref<128xi32, #tpu.memory_space<vmem>>
    %dma_wait3A_238 = arith.constant 0 : i32
    %dma_wait3A_239 = arith.constant 0 : i32
    %dma_wait3A_240 = tpu.memref_slice %arg6[%dma_wait3A_238, %dma_wait3A_239] : memref<100000x128xf32, #tpu.memory_space<hbm>> -> memref<100000x128xf32, #tpu.memory_space<hbm>>
    tpu.wait_indirect_dma semaphore(%arg19 : memref<!tpu.dma_semaphore, #tpu.memory_space<semaphore_mem>>) src(%dma_wait3A_240 : memref<100000x128xf32, #tpu.memory_space<hbm>>) dst(%dma_wait3A_235 : memref<128x128xf32, #tpu.memory_space<vmem>>)
    %dma_start3A_241 = arith.constant 512 : i32
    %dma_start3A_242 = arith.constant 0 : i32
    %dma_start3A_243 = tpu.memref_slice %arg13[%dma_start3A_241, %dma_start3A_242] : memref<768x128xf32, #tpu.memory_space<vmem>> -> memref<256x128xf32, #tpu.memory_space<vmem>>
    %dma_start3A_244 = arith.constant 0 : i32
    %dma_start3A_245 = tpu.memref_slice %arg9[%add3A_31, %dma_start3A_244] : memref<81920x128xf32, #tpu.memory_space<hbm>> -> memref<256x128xf32, #tpu.memory_space<hbm>>
    %dma_start3A_246 = arith.constant 0 : i32
    %dma_start3A_247 = tpu.memref_slice %arg9[%add3A_31, %dma_start3A_246] : memref<81920x128xf32, #tpu.memory_space<hbm>> -> memref<256x128xf32, #tpu.memory_space<hbm>>
    %dma_start3A_248 = arith.constant 512 : i32
    %dma_start3A_249 = arith.constant 0 : i32
    %dma_start3A_250 = tpu.memref_slice %arg13[%dma_start3A_248, %dma_start3A_249] : memref<768x128xf32, #tpu.memory_space<vmem>> -> memref<256x128xf32, #tpu.memory_space<vmem>>
    tpu.enqueue_dma source(%dma_start3A_250 : memref<256x128xf32, #tpu.memory_space<vmem>>) target(%dma_start3A_247 : memref<256x128xf32, #tpu.memory_space<hbm>>) target_semaphore(%arg22 : memref<!tpu.dma_semaphore, #tpu.memory_space<semaphore_mem>>)
    %dma_wait3A_251 = arith.constant 512 : i32
    %dma_wait3A_252 = arith.constant 0 : i32
    %dma_wait3A_253 = tpu.memref_slice %arg13[%dma_wait3A_251, %dma_wait3A_252] : memref<768x128xf32, #tpu.memory_space<vmem>> -> memref<256x128xf32, #tpu.memory_space<vmem>>
    %dma_wait3A_254 = arith.constant 0 : i32
    %dma_wait3A_255 = tpu.memref_slice %arg9[%add3A_31, %dma_wait3A_254] : memref<81920x128xf32, #tpu.memory_space<hbm>> -> memref<256x128xf32, #tpu.memory_space<hbm>>
    %dma_wait3A_256 = arith.constant 0 : i32
    %dma_wait3A_257 = tpu.memref_slice %arg9[%add3A_31, %dma_wait3A_256] : memref<81920x128xf32, #tpu.memory_space<hbm>> -> memref<256x128xf32, #tpu.memory_space<hbm>>
    %dma_wait3A_258 = arith.constant 512 : i32
    %dma_wait3A_259 = arith.constant 0 : i32
    %dma_wait3A_260 = tpu.memref_slice %arg13[%dma_wait3A_258, %dma_wait3A_259] : memref<768x128xf32, #tpu.memory_space<vmem>> -> memref<256x128xf32, #tpu.memory_space<vmem>>
    tpu.wait_dma2 semaphore(%arg22 : memref<!tpu.dma_semaphore, #tpu.memory_space<semaphore_mem>>) src(%dma_wait3A_260 : memref<256x128xf32, #tpu.memory_space<vmem>>) dst(%dma_wait3A_257 : memref<256x128xf32, #tpu.memory_space<hbm>>)
    %dma_start3A_261 = arith.constant 512 : i32
    %dma_start3A_262 = arith.constant 0 : i32
    %dma_start3A_263 = tpu.memref_slice %arg13[%dma_start3A_261, %dma_start3A_262] : memref<768x128xf32, #tpu.memory_space<vmem>> -> memref<128x128xf32, #tpu.memory_space<vmem>>
    %dma_start3A_264 = arith.constant 256 : i32
    %dma_start3A_265 = tpu.memref_slice %arg10[%dma_start3A_264] : memref<512xi32, #tpu.memory_space<vmem>> -> memref<128xi32, #tpu.memory_space<vmem>>
    %dma_start3A_266 = arith.constant 0 : i32
    %dma_start3A_267 = arith.constant 0 : i32
    %dma_start3A_268 = tpu.memref_slice %arg5[%dma_start3A_266, %dma_start3A_267] : memref<100000x128xf32, #tpu.memory_space<hbm>> -> memref<100000x128xf32, #tpu.memory_space<hbm>>
    tpu.enqueue_indirect_dma source(%dma_start3A_268 : memref<100000x128xf32, #tpu.memory_space<hbm>>) target(%dma_start3A_263 : memref<128x128xf32, #tpu.memory_space<vmem>>) offsets(%dma_start3A_265 : memref<128xi32, #tpu.memory_space<vmem>>) semaphore(%arg18 : memref<!tpu.dma_semaphore, #tpu.memory_space<semaphore_mem>>)
    %dma_start3A_269 = arith.constant 640 : i32
    %dma_start3A_270 = arith.constant 0 : i32
    %dma_start3A_271 = tpu.memref_slice %arg13[%dma_start3A_269, %dma_start3A_270] : memref<768x128xf32, #tpu.memory_space<vmem>> -> memref<128x128xf32, #tpu.memory_space<vmem>>
    %dma_start3A_272 = arith.constant 384 : i32
    %dma_start3A_273 = tpu.memref_slice %arg10[%dma_start3A_272] : memref<512xi32, #tpu.memory_space<vmem>> -> memref<128xi32, #tpu.memory_space<vmem>>
    %dma_start3A_274 = arith.constant 0 : i32
    %dma_start3A_275 = arith.constant 0 : i32
    %dma_start3A_276 = tpu.memref_slice %arg5[%dma_start3A_274, %dma_start3A_275] : memref<100000x128xf32, #tpu.memory_space<hbm>> -> memref<100000x128xf32, #tpu.memory_space<hbm>>
    tpu.enqueue_indirect_dma source(%dma_start3A_276 : memref<100000x128xf32, #tpu.memory_space<hbm>>) target(%dma_start3A_271 : memref<128x128xf32, #tpu.memory_space<vmem>>) offsets(%dma_start3A_273 : memref<128xi32, #tpu.memory_space<vmem>>) semaphore(%arg19 : memref<!tpu.dma_semaphore, #tpu.memory_space<semaphore_mem>>)
    %dma_wait3A_277 = arith.constant 0 : i32
    %dma_wait3A_278 = arith.constant 0 : i32
    %dma_wait3A_279 = tpu.memref_slice %arg13[%dma_wait3A_277, %dma_wait3A_278] : memref<768x128xf32, #tpu.memory_space<vmem>> -> memref<128x128xf32, #tpu.memory_space<vmem>>
    %dma_wait3A_280 = arith.constant 256 : i32
    %dma_wait3A_281 = tpu.memref_slice %arg12[%dma_wait3A_280] : memref<2560xi32, #tpu.memory_space<vmem>> -> memref<128xi32, #tpu.memory_space<vmem>>
    %dma_wait3A_282 = arith.constant 0 : i32
    %dma_wait3A_283 = arith.constant 0 : i32
    %dma_wait3A_284 = tpu.memref_slice %arg6[%dma_wait3A_282, %dma_wait3A_283] : memref<100000x128xf32, #tpu.memory_space<hbm>> -> memref<100000x128xf32, #tpu.memory_space<hbm>>
    tpu.wait_indirect_dma semaphore(%arg14 : memref<!tpu.dma_semaphore, #tpu.memory_space<semaphore_mem>>) src(%dma_wait3A_284 : memref<100000x128xf32, #tpu.memory_space<hbm>>) dst(%dma_wait3A_279 : memref<128x128xf32, #tpu.memory_space<vmem>>)
    %dma_wait3A_285 = arith.constant 128 : i32
    %dma_wait3A_286 = arith.constant 0 : i32
    %dma_wait3A_287 = tpu.memref_slice %arg13[%dma_wait3A_285, %dma_wait3A_286] : memref<768x128xf32, #tpu.memory_space<vmem>> -> memref<128x128xf32, #tpu.memory_space<vmem>>
    %dma_wait3A_288 = arith.constant 384 : i32
    %dma_wait3A_289 = tpu.memref_slice %arg12[%dma_wait3A_288] : memref<2560xi32, #tpu.memory_space<vmem>> -> memref<128xi32, #tpu.memory_space<vmem>>
    %dma_wait3A_290 = arith.constant 0 : i32
    %dma_wait3A_291 = arith.constant 0 : i32
    %dma_wait3A_292 = tpu.memref_slice %arg6[%dma_wait3A_290, %dma_wait3A_291] : memref<100000x128xf32, #tpu.memory_space<hbm>> -> memref<100000x128xf32, #tpu.memory_space<hbm>>
    tpu.wait_indirect_dma semaphore(%arg15 : memref<!tpu.dma_semaphore, #tpu.memory_space<semaphore_mem>>) src(%dma_wait3A_292 : memref<100000x128xf32, #tpu.memory_space<hbm>>) dst(%dma_wait3A_287 : memref<128x128xf32, #tpu.memory_space<vmem>>)
    %dma_start3A_293 = arith.constant 0 : i32
    %dma_start3A_294 = arith.constant 0 : i32
    %dma_start3A_295 = tpu.memref_slice %arg13[%dma_start3A_293, %dma_start3A_294] : memref<768x128xf32, #tpu.memory_space<vmem>> -> memref<256x128xf32, #tpu.memory_space<vmem>>
    %dma_start3A_296 = arith.constant 0 : i32
    %dma_start3A_297 = tpu.memref_slice %arg9[%add3A_35, %dma_start3A_296] : memref<81920x128xf32, #tpu.memory_space<hbm>> -> memref<256x128xf32, #tpu.memory_space<hbm>>
    %dma_start3A_298 = arith.constant 0 : i32
    %dma_start3A_299 = tpu.memref_slice %arg9[%add3A_35, %dma_start3A_298] : memref<81920x128xf32, #tpu.memory_space<hbm>> -> memref<256x128xf32, #tpu.memory_space<hbm>>
    %dma_start3A_300 = arith.constant 0 : i32
    %dma_start3A_301 = arith.constant 0 : i32
    %dma_start3A_302 = tpu.memref_slice %arg13[%dma_start3A_300, %dma_start3A_301] : memref<768x128xf32, #tpu.memory_space<vmem>> -> memref<256x128xf32, #tpu.memory_space<vmem>>
    tpu.enqueue_dma source(%dma_start3A_302 : memref<256x128xf32, #tpu.memory_space<vmem>>) target(%dma_start3A_299 : memref<256x128xf32, #tpu.memory_space<hbm>>) target_semaphore(%arg20 : memref<!tpu.dma_semaphore, #tpu.memory_space<semaphore_mem>>)
    %dma_wait3A_303 = arith.constant 0 : i32
    %dma_wait3A_304 = arith.constant 0 : i32
    %dma_wait3A_305 = tpu.memref_slice %arg13[%dma_wait3A_303, %dma_wait3A_304] : memref<768x128xf32, #tpu.memory_space<vmem>> -> memref<256x128xf32, #tpu.memory_space<vmem>>
    %dma_wait3A_306 = arith.constant 0 : i32
    %dma_wait3A_307 = tpu.memref_slice %arg9[%add3A_35, %dma_wait3A_306] : memref<81920x128xf32, #tpu.memory_space<hbm>> -> memref<256x128xf32, #tpu.memory_space<hbm>>
    %dma_wait3A_308 = arith.constant 0 : i32
    %dma_wait3A_309 = tpu.memref_slice %arg9[%add3A_35, %dma_wait3A_308] : memref<81920x128xf32, #tpu.memory_space<hbm>> -> memref<256x128xf32, #tpu.memory_space<hbm>>
    %dma_wait3A_310 = arith.constant 0 : i32
    %dma_wait3A_311 = arith.constant 0 : i32
    %dma_wait3A_312 = tpu.memref_slice %arg13[%dma_wait3A_310, %dma_wait3A_311] : memref<768x128xf32, #tpu.memory_space<vmem>> -> memref<256x128xf32, #tpu.memory_space<vmem>>
    tpu.wait_dma2 semaphore(%arg20 : memref<!tpu.dma_semaphore, #tpu.memory_space<semaphore_mem>>) src(%dma_wait3A_312 : memref<256x128xf32, #tpu.memory_space<vmem>>) dst(%dma_wait3A_309 : memref<256x128xf32, #tpu.memory_space<hbm>>)
    %dma_start3A_313 = arith.constant 0 : i32
    %dma_start3A_314 = arith.constant 0 : i32
    %dma_start3A_315 = tpu.memref_slice %arg13[%dma_start3A_313, %dma_start3A_314] : memref<768x128xf32, #tpu.memory_space<vmem>> -> memref<128x128xf32, #tpu.memory_space<vmem>>
    %dma_start3A_316 = arith.constant 256 : i32
    %dma_start3A_317 = tpu.memref_slice %arg11[%dma_start3A_316] : memref<512xi32, #tpu.memory_space<vmem>> -> memref<128xi32, #tpu.memory_space<vmem>>
    %dma_start3A_318 = arith.constant 0 : i32
    %dma_start3A_319 = arith.constant 0 : i32
    %dma_start3A_320 = tpu.memref_slice %arg6[%dma_start3A_318, %dma_start3A_319] : memref<100000x128xf32, #tpu.memory_space<hbm>> -> memref<100000x128xf32, #tpu.memory_space<hbm>>
    tpu.enqueue_indirect_dma source(%dma_start3A_320 : memref<100000x128xf32, #tpu.memory_space<hbm>>) target(%dma_start3A_315 : memref<128x128xf32, #tpu.memory_space<vmem>>) offsets(%dma_start3A_317 : memref<128xi32, #tpu.memory_space<vmem>>) semaphore(%arg14 : memref<!tpu.dma_semaphore, #tpu.memory_space<semaphore_mem>>)
    %dma_start3A_321 = arith.constant 128 : i32
    %dma_start3A_322 = arith.constant 0 : i32
    %dma_start3A_323 = tpu.memref_slice %arg13[%dma_start3A_321, %dma_start3A_322] : memref<768x128xf32, #tpu.memory_space<vmem>> -> memref<128x128xf32, #tpu.memory_space<vmem>>
    %dma_start3A_324 = arith.constant 384 : i32
    %dma_start3A_325 = tpu.memref_slice %arg11[%dma_start3A_324] : memref<512xi32, #tpu.memory_space<vmem>> -> memref<128xi32, #tpu.memory_space<vmem>>
    %dma_start3A_326 = arith.constant 0 : i32
    %dma_start3A_327 = arith.constant 0 : i32
    %dma_start3A_328 = tpu.memref_slice %arg6[%dma_start3A_326, %dma_start3A_327] : memref<100000x128xf32, #tpu.memory_space<hbm>> -> memref<100000x128xf32, #tpu.memory_space<hbm>>
    tpu.enqueue_indirect_dma source(%dma_start3A_328 : memref<100000x128xf32, #tpu.memory_space<hbm>>) target(%dma_start3A_323 : memref<128x128xf32, #tpu.memory_space<vmem>>) offsets(%dma_start3A_325 : memref<128xi32, #tpu.memory_space<vmem>>) semaphore(%arg15 : memref<!tpu.dma_semaphore, #tpu.memory_space<semaphore_mem>>)
    %dma_wait3A_329 = arith.constant 256 : i32
    %dma_wait3A_330 = arith.constant 0 : i32
    %dma_wait3A_331 = tpu.memref_slice %arg13[%dma_wait3A_329, %dma_wait3A_330] : memref<768x128xf32, #tpu.memory_space<vmem>> -> memref<128x128xf32, #tpu.memory_space<vmem>>
    %dma_wait3A_332 = arith.constant 512 : i32
    %dma_wait3A_333 = tpu.memref_slice %arg12[%dma_wait3A_332] : memref<2560xi32, #tpu.memory_space<vmem>> -> memref<128xi32, #tpu.memory_space<vmem>>
    %dma_wait3A_334 = arith.constant 0 : i32
    %dma_wait3A_335 = arith.constant 0 : i32
    %dma_wait3A_336 = tpu.memref_slice %arg6[%dma_wait3A_334, %dma_wait3A_335] : memref<100000x128xf32, #tpu.memory_space<hbm>> -> memref<100000x128xf32, #tpu.memory_space<hbm>>
    tpu.wait_indirect_dma semaphore(%arg16 : memref<!tpu.dma_semaphore, #tpu.memory_space<semaphore_mem>>) src(%dma_wait3A_336 : memref<100000x128xf32, #tpu.memory_space<hbm>>) dst(%dma_wait3A_331 : memref<128x128xf32, #tpu.memory_space<vmem>>)
    %dma_wait3A_337 = arith.constant 384 : i32
    %dma_wait3A_338 = arith.constant 0 : i32
    %dma_wait3A_339 = tpu.memref_slice %arg13[%dma_wait3A_337, %dma_wait3A_338] : memref<768x128xf32, #tpu.memory_space<vmem>> -> memref<128x128xf32, #tpu.memory_space<vmem>>
    %dma_wait3A_340 = arith.constant 640 : i32
    %dma_wait3A_341 = tpu.memref_slice %arg12[%dma_wait3A_340] : memref<2560xi32, #tpu.memory_space<vmem>> -> memref<128xi32, #tpu.memory_space<vmem>>
    %dma_wait3A_342 = arith.constant 0 : i32
    %dma_wait3A_343 = arith.constant 0 : i32
    %dma_wait3A_344 = tpu.memref_slice %arg6[%dma_wait3A_342, %dma_wait3A_343] : memref<100000x128xf32, #tpu.memory_space<hbm>> -> memref<100000x128xf32, #tpu.memory_space<hbm>>
    tpu.wait_indirect_dma semaphore(%arg17 : memref<!tpu.dma_semaphore, #tpu.memory_space<semaphore_mem>>) src(%dma_wait3A_344 : memref<100000x128xf32, #tpu.memory_space<hbm>>) dst(%dma_wait3A_339 : memref<128x128xf32, #tpu.memory_space<vmem>>)
    %dma_start3A_345 = arith.constant 256 : i32
    %dma_start3A_346 = arith.constant 0 : i32
    %dma_start3A_347 = tpu.memref_slice %arg13[%dma_start3A_345, %dma_start3A_346] : memref<768x128xf32, #tpu.memory_space<vmem>> -> memref<256x128xf32, #tpu.memory_space<vmem>>
    %dma_start3A_348 = arith.constant 0 : i32
    %dma_start3A_349 = tpu.memref_slice %arg9[%add3A_39, %dma_start3A_348] : memref<81920x128xf32, #tpu.memory_space<hbm>> -> memref<256x128xf32, #tpu.memory_space<hbm>>
    %dma_start3A_350 = arith.constant 0 : i32
    %dma_start3A_351 = tpu.memref_slice %arg9[%add3A_39, %dma_start3A_350] : memref<81920x128xf32, #tpu.memory_space<hbm>> -> memref<256x128xf32, #tpu.memory_space<hbm>>
    %dma_start3A_352 = arith.constant 256 : i32
    %dma_start3A_353 = arith.constant 0 : i32
    %dma_start3A_354 = tpu.memref_slice %arg13[%dma_start3A_352, %dma_start3A_353] : memref<768x128xf32, #tpu.memory_space<vmem>> -> memref<256x128xf32, #tpu.memory_space<vmem>>
    tpu.enqueue_dma source(%dma_start3A_354 : memref<256x128xf32, #tpu.memory_space<vmem>>) target(%dma_start3A_351 : memref<256x128xf32, #tpu.memory_space<hbm>>) target_semaphore(%arg21 : memref<!tpu.dma_semaphore, #tpu.memory_space<semaphore_mem>>)
    %dma_wait3A_355 = arith.constant 256 : i32
    %dma_wait3A_356 = arith.constant 0 : i32
    %dma_wait3A_357 = tpu.memref_slice %arg13[%dma_wait3A_355, %dma_wait3A_356] : memref<768x128xf32, #tpu.memory_space<vmem>> -> memref<256x128xf32, #tpu.memory_space<vmem>>
    %dma_wait3A_358 = arith.constant 0 : i32
    %dma_wait3A_359 = tpu.memref_slice %arg9[%add3A_39, %dma_wait3A_358] : memref<81920x128xf32, #tpu.memory_space<hbm>> -> memref<256x128xf32, #tpu.memory_space<hbm>>
    %dma_wait3A_360 = arith.constant 0 : i32
    %dma_wait3A_361 = tpu.memref_slice %arg9[%add3A_39, %dma_wait3A_360] : memref<81920x128xf32, #tpu.memory_space<hbm>> -> memref<256x128xf32, #tpu.memory_space<hbm>>
    %dma_wait3A_362 = arith.constant 256 : i32
    %dma_wait3A_363 = arith.constant 0 : i32
    %dma_wait3A_364 = tpu.memref_slice %arg13[%dma_wait3A_362, %dma_wait3A_363] : memref<768x128xf32, #tpu.memory_space<vmem>> -> memref<256x128xf32, #tpu.memory_space<vmem>>
    tpu.wait_dma2 semaphore(%arg21 : memref<!tpu.dma_semaphore, #tpu.memory_space<semaphore_mem>>) src(%dma_wait3A_364 : memref<256x128xf32, #tpu.memory_space<vmem>>) dst(%dma_wait3A_361 : memref<256x128xf32, #tpu.memory_space<hbm>>)
    %dma_start3A_365 = arith.constant 256 : i32
    %dma_start3A_366 = arith.constant 0 : i32
    %dma_start3A_367 = tpu.memref_slice %arg13[%dma_start3A_365, %dma_start3A_366] : memref<768x128xf32, #tpu.memory_space<vmem>> -> memref<128x128xf32, #tpu.memory_space<vmem>>
    %dma_start3A_368 = arith.constant 768 : i32
    %dma_start3A_369 = tpu.memref_slice %arg12[%dma_start3A_368] : memref<2560xi32, #tpu.memory_space<vmem>> -> memref<128xi32, #tpu.memory_space<vmem>>
    %dma_start3A_370 = arith.constant 0 : i32
    %dma_start3A_371 = arith.constant 0 : i32
    %dma_start3A_372 = tpu.memref_slice %arg6[%dma_start3A_370, %dma_start3A_371] : memref<100000x128xf32, #tpu.memory_space<hbm>> -> memref<100000x128xf32, #tpu.memory_space<hbm>>
    tpu.enqueue_indirect_dma source(%dma_start3A_372 : memref<100000x128xf32, #tpu.memory_space<hbm>>) target(%dma_start3A_367 : memref<128x128xf32, #tpu.memory_space<vmem>>) offsets(%dma_start3A_369 : memref<128xi32, #tpu.memory_space<vmem>>) semaphore(%arg16 : memref<!tpu.dma_semaphore, #tpu.memory_space<semaphore_mem>>)
    %dma_start3A_373 = arith.constant 384 : i32
    %dma_start3A_374 = arith.constant 0 : i32
    %dma_start3A_375 = tpu.memref_slice %arg13[%dma_start3A_373, %dma_start3A_374] : memref<768x128xf32, #tpu.memory_space<vmem>> -> memref<128x128xf32, #tpu.memory_space<vmem>>
    %dma_start3A_376 = arith.constant 896 : i32
    %dma_start3A_377 = tpu.memref_slice %arg12[%dma_start3A_376] : memref<2560xi32, #tpu.memory_space<vmem>> -> memref<128xi32, #tpu.memory_space<vmem>>
    %dma_start3A_378 = arith.constant 0 : i32
    %dma_start3A_379 = arith.constant 0 : i32
    %dma_start3A_380 = tpu.memref_slice %arg6[%dma_start3A_378, %dma_start3A_379] : memref<100000x128xf32, #tpu.memory_space<hbm>> -> memref<100000x128xf32, #tpu.memory_space<hbm>>
    tpu.enqueue_indirect_dma source(%dma_start3A_380 : memref<100000x128xf32, #tpu.memory_space<hbm>>) target(%dma_start3A_375 : memref<128x128xf32, #tpu.memory_space<vmem>>) offsets(%dma_start3A_377 : memref<128xi32, #tpu.memory_space<vmem>>) semaphore(%arg17 : memref<!tpu.dma_semaphore, #tpu.memory_space<semaphore_mem>>)
    %dma_wait3A_381 = arith.constant 512 : i32
    %dma_wait3A_382 = arith.constant 0 : i32
    %dma_wait3A_383 = tpu.memref_slice %arg13[%dma_wait3A_381, %dma_wait3A_382] : memref<768x128xf32, #tpu.memory_space<vmem>> -> memref<128x128xf32, #tpu.memory_space<vmem>>
    %dma_wait3A_384 = arith.constant 256 : i32
    %dma_wait3A_385 = tpu.memref_slice %arg10[%dma_wait3A_384] : memref<512xi32, #tpu.memory_space<vmem>> -> memref<128xi32, #tpu.memory_space<vmem>>
    %dma_wait3A_386 = arith.constant 0 : i32
    %dma_wait3A_387 = arith.constant 0 : i32
    %dma_wait3A_388 = tpu.memref_slice %arg5[%dma_wait3A_386, %dma_wait3A_387] : memref<100000x128xf32, #tpu.memory_space<hbm>> -> memref<100000x128xf32, #tpu.memory_space<hbm>>
    tpu.wait_indirect_dma semaphore(%arg18 : memref<!tpu.dma_semaphore, #tpu.memory_space<semaphore_mem>>) src(%dma_wait3A_388 : memref<100000x128xf32, #tpu.memory_space<hbm>>) dst(%dma_wait3A_383 : memref<128x128xf32, #tpu.memory_space<vmem>>)
    %dma_wait3A_389 = arith.constant 640 : i32
    %dma_wait3A_390 = arith.constant 0 : i32
    %dma_wait3A_391 = tpu.memref_slice %arg13[%dma_wait3A_389, %dma_wait3A_390] : memref<768x128xf32, #tpu.memory_space<vmem>> -> memref<128x128xf32, #tpu.memory_space<vmem>>
    %dma_wait3A_392 = arith.constant 384 : i32
    %dma_wait3A_393 = tpu.memref_slice %arg10[%dma_wait3A_392] : memref<512xi32, #tpu.memory_space<vmem>> -> memref<128xi32, #tpu.memory_space<vmem>>
    %dma_wait3A_394 = arith.constant 0 : i32
    %dma_wait3A_395 = arith.constant 0 : i32
    %dma_wait3A_396 = tpu.memref_slice %arg5[%dma_wait3A_394, %dma_wait3A_395] : memref<100000x128xf32, #tpu.memory_space<hbm>> -> memref<100000x128xf32, #tpu.memory_space<hbm>>
    tpu.wait_indirect_dma semaphore(%arg19 : memref<!tpu.dma_semaphore, #tpu.memory_space<semaphore_mem>>) src(%dma_wait3A_396 : memref<100000x128xf32, #tpu.memory_space<hbm>>) dst(%dma_wait3A_391 : memref<128x128xf32, #tpu.memory_space<vmem>>)
    %dma_start3A_397 = arith.constant 512 : i32
    %dma_start3A_398 = arith.constant 0 : i32
    %dma_start3A_399 = tpu.memref_slice %arg13[%dma_start3A_397, %dma_start3A_398] : memref<768x128xf32, #tpu.memory_space<vmem>> -> memref<256x128xf32, #tpu.memory_space<vmem>>
    %dma_start3A_400 = arith.constant 0 : i32
    %dma_start3A_401 = tpu.memref_slice %arg7[%add3A_19, %dma_start3A_400] : memref<16384x128xf32, #tpu.memory_space<hbm>> -> memref<256x128xf32, #tpu.memory_space<hbm>>
    %dma_start3A_402 = arith.constant 0 : i32
    %dma_start3A_403 = tpu.memref_slice %arg7[%add3A_19, %dma_start3A_402] : memref<16384x128xf32, #tpu.memory_space<hbm>> -> memref<256x128xf32, #tpu.memory_space<hbm>>
    %dma_start3A_404 = arith.constant 512 : i32
    %dma_start3A_405 = arith.constant 0 : i32
    %dma_start3A_406 = tpu.memref_slice %arg13[%dma_start3A_404, %dma_start3A_405] : memref<768x128xf32, #tpu.memory_space<vmem>> -> memref<256x128xf32, #tpu.memory_space<vmem>>
    tpu.enqueue_dma source(%dma_start3A_406 : memref<256x128xf32, #tpu.memory_space<vmem>>) target(%dma_start3A_403 : memref<256x128xf32, #tpu.memory_space<hbm>>) target_semaphore(%arg22 : memref<!tpu.dma_semaphore, #tpu.memory_space<semaphore_mem>>)
    %dma_wait3A_407 = arith.constant 512 : i32
    %dma_wait3A_408 = arith.constant 0 : i32
    %dma_wait3A_409 = tpu.memref_slice %arg13[%dma_wait3A_407, %dma_wait3A_408] : memref<768x128xf32, #tpu.memory_space<vmem>> -> memref<256x128xf32, #tpu.memory_space<vmem>>
    %dma_wait3A_410 = arith.constant 0 : i32
    %dma_wait3A_411 = tpu.memref_slice %arg7[%add3A_19, %dma_wait3A_410] : memref<16384x128xf32, #tpu.memory_space<hbm>> -> memref<256x128xf32, #tpu.memory_space<hbm>>
    %dma_wait3A_412 = arith.constant 0 : i32
    %dma_wait3A_413 = tpu.memref_slice %arg7[%add3A_19, %dma_wait3A_412] : memref<16384x128xf32, #tpu.memory_space<hbm>> -> memref<256x128xf32, #tpu.memory_space<hbm>>
    %dma_wait3A_414 = arith.constant 512 : i32
    %dma_wait3A_415 = arith.constant 0 : i32
    %dma_wait3A_416 = tpu.memref_slice %arg13[%dma_wait3A_414, %dma_wait3A_415] : memref<768x128xf32, #tpu.memory_space<vmem>> -> memref<256x128xf32, #tpu.memory_space<vmem>>
    tpu.wait_dma2 semaphore(%arg22 : memref<!tpu.dma_semaphore, #tpu.memory_space<semaphore_mem>>) src(%dma_wait3A_416 : memref<256x128xf32, #tpu.memory_space<vmem>>) dst(%dma_wait3A_413 : memref<256x128xf32, #tpu.memory_space<hbm>>)
    %dma_start3A_417 = arith.constant 512 : i32
    %dma_start3A_418 = arith.constant 0 : i32
    %dma_start3A_419 = tpu.memref_slice %arg13[%dma_start3A_417, %dma_start3A_418] : memref<768x128xf32, #tpu.memory_space<vmem>> -> memref<128x128xf32, #tpu.memory_space<vmem>>
    %dma_start3A_420 = arith.constant 1024 : i32
    %dma_start3A_421 = tpu.memref_slice %arg12[%dma_start3A_420] : memref<2560xi32, #tpu.memory_space<vmem>> -> memref<128xi32, #tpu.memory_space<vmem>>
    %dma_start3A_422 = arith.constant 0 : i32
    %dma_start3A_423 = arith.constant 0 : i32
    %dma_start3A_424 = tpu.memref_slice %arg6[%dma_start3A_422, %dma_start3A_423] : memref<100000x128xf32, #tpu.memory_space<hbm>> -> memref<100000x128xf32, #tpu.memory_space<hbm>>
    tpu.enqueue_indirect_dma source(%dma_start3A_424 : memref<100000x128xf32, #tpu.memory_space<hbm>>) target(%dma_start3A_419 : memref<128x128xf32, #tpu.memory_space<vmem>>) offsets(%dma_start3A_421 : memref<128xi32, #tpu.memory_space<vmem>>) semaphore(%arg18 : memref<!tpu.dma_semaphore, #tpu.memory_space<semaphore_mem>>)
    %dma_start3A_425 = arith.constant 640 : i32
    %dma_start3A_426 = arith.constant 0 : i32
    %dma_start3A_427 = tpu.memref_slice %arg13[%dma_start3A_425, %dma_start3A_426] : memref<768x128xf32, #tpu.memory_space<vmem>> -> memref<128x128xf32, #tpu.memory_space<vmem>>
    %dma_start3A_428 = arith.constant 1152 : i32
    %dma_start3A_429 = tpu.memref_slice %arg12[%dma_start3A_428] : memref<2560xi32, #tpu.memory_space<vmem>> -> memref<128xi32, #tpu.memory_space<vmem>>
    %dma_start3A_430 = arith.constant 0 : i32
    %dma_start3A_431 = arith.constant 0 : i32
    %dma_start3A_432 = tpu.memref_slice %arg6[%dma_start3A_430, %dma_start3A_431] : memref<100000x128xf32, #tpu.memory_space<hbm>> -> memref<100000x128xf32, #tpu.memory_space<hbm>>
    tpu.enqueue_indirect_dma source(%dma_start3A_432 : memref<100000x128xf32, #tpu.memory_space<hbm>>) target(%dma_start3A_427 : memref<128x128xf32, #tpu.memory_space<vmem>>) offsets(%dma_start3A_429 : memref<128xi32, #tpu.memory_space<vmem>>) semaphore(%arg19 : memref<!tpu.dma_semaphore, #tpu.memory_space<semaphore_mem>>)
    %dma_wait3A_433 = arith.constant 0 : i32
    %dma_wait3A_434 = arith.constant 0 : i32
    %dma_wait3A_435 = tpu.memref_slice %arg13[%dma_wait3A_433, %dma_wait3A_434] : memref<768x128xf32, #tpu.memory_space<vmem>> -> memref<128x128xf32, #tpu.memory_space<vmem>>
    %dma_wait3A_436 = arith.constant 256 : i32
    %dma_wait3A_437 = tpu.memref_slice %arg11[%dma_wait3A_436] : memref<512xi32, #tpu.memory_space<vmem>> -> memref<128xi32, #tpu.memory_space<vmem>>
    %dma_wait3A_438 = arith.constant 0 : i32
    %dma_wait3A_439 = arith.constant 0 : i32
    %dma_wait3A_440 = tpu.memref_slice %arg6[%dma_wait3A_438, %dma_wait3A_439] : memref<100000x128xf32, #tpu.memory_space<hbm>> -> memref<100000x128xf32, #tpu.memory_space<hbm>>
    tpu.wait_indirect_dma semaphore(%arg14 : memref<!tpu.dma_semaphore, #tpu.memory_space<semaphore_mem>>) src(%dma_wait3A_440 : memref<100000x128xf32, #tpu.memory_space<hbm>>) dst(%dma_wait3A_435 : memref<128x128xf32, #tpu.memory_space<vmem>>)
    %dma_wait3A_441 = arith.constant 128 : i32
    %dma_wait3A_442 = arith.constant 0 : i32
    %dma_wait3A_443 = tpu.memref_slice %arg13[%dma_wait3A_441, %dma_wait3A_442] : memref<768x128xf32, #tpu.memory_space<vmem>> -> memref<128x128xf32, #tpu.memory_space<vmem>>
    %dma_wait3A_444 = arith.constant 384 : i32
    %dma_wait3A_445 = tpu.memref_slice %arg11[%dma_wait3A_444] : memref<512xi32, #tpu.memory_space<vmem>> -> memref<128xi32, #tpu.memory_space<vmem>>
    %dma_wait3A_446 = arith.constant 0 : i32
    %dma_wait3A_447 = arith.constant 0 : i32
    %dma_wait3A_448 = tpu.memref_slice %arg6[%dma_wait3A_446, %dma_wait3A_447] : memref<100000x128xf32, #tpu.memory_space<hbm>> -> memref<100000x128xf32, #tpu.memory_space<hbm>>
    tpu.wait_indirect_dma semaphore(%arg15 : memref<!tpu.dma_semaphore, #tpu.memory_space<semaphore_mem>>) src(%dma_wait3A_448 : memref<100000x128xf32, #tpu.memory_space<hbm>>) dst(%dma_wait3A_443 : memref<128x128xf32, #tpu.memory_space<vmem>>)
    %dma_start3A_449 = arith.constant 0 : i32
    %dma_start3A_450 = arith.constant 0 : i32
    %dma_start3A_451 = tpu.memref_slice %arg13[%dma_start3A_449, %dma_start3A_450] : memref<768x128xf32, #tpu.memory_space<vmem>> -> memref<256x128xf32, #tpu.memory_space<vmem>>
    %dma_start3A_452 = arith.constant 0 : i32
    %dma_start3A_453 = tpu.memref_slice %arg8[%add3A_27, %dma_start3A_452] : memref<16384x128xf32, #tpu.memory_space<hbm>> -> memref<256x128xf32, #tpu.memory_space<hbm>>
    %dma_start3A_454 = arith.constant 0 : i32
    %dma_start3A_455 = tpu.memref_slice %arg8[%add3A_27, %dma_start3A_454] : memref<16384x128xf32, #tpu.memory_space<hbm>> -> memref<256x128xf32, #tpu.memory_space<hbm>>
    %dma_start3A_456 = arith.constant 0 : i32
    %dma_start3A_457 = arith.constant 0 : i32
    %dma_start3A_458 = tpu.memref_slice %arg13[%dma_start3A_456, %dma_start3A_457] : memref<768x128xf32, #tpu.memory_space<vmem>> -> memref<256x128xf32, #tpu.memory_space<vmem>>
    tpu.enqueue_dma source(%dma_start3A_458 : memref<256x128xf32, #tpu.memory_space<vmem>>) target(%dma_start3A_455 : memref<256x128xf32, #tpu.memory_space<hbm>>) target_semaphore(%arg20 : memref<!tpu.dma_semaphore, #tpu.memory_space<semaphore_mem>>)
    %dma_wait3A_459 = arith.constant 0 : i32
    %dma_wait3A_460 = arith.constant 0 : i32
    %dma_wait3A_461 = tpu.memref_slice %arg13[%dma_wait3A_459, %dma_wait3A_460] : memref<768x128xf32, #tpu.memory_space<vmem>> -> memref<256x128xf32, #tpu.memory_space<vmem>>
    %dma_wait3A_462 = arith.constant 0 : i32
    %dma_wait3A_463 = tpu.memref_slice %arg8[%add3A_27, %dma_wait3A_462] : memref<16384x128xf32, #tpu.memory_space<hbm>> -> memref<256x128xf32, #tpu.memory_space<hbm>>
    %dma_wait3A_464 = arith.constant 0 : i32
    %dma_wait3A_465 = tpu.memref_slice %arg8[%add3A_27, %dma_wait3A_464] : memref<16384x128xf32, #tpu.memory_space<hbm>> -> memref<256x128xf32, #tpu.memory_space<hbm>>
    %dma_wait3A_466 = arith.constant 0 : i32
    %dma_wait3A_467 = arith.constant 0 : i32
    %dma_wait3A_468 = tpu.memref_slice %arg13[%dma_wait3A_466, %dma_wait3A_467] : memref<768x128xf32, #tpu.memory_space<vmem>> -> memref<256x128xf32, #tpu.memory_space<vmem>>
    tpu.wait_dma2 semaphore(%arg20 : memref<!tpu.dma_semaphore, #tpu.memory_space<semaphore_mem>>) src(%dma_wait3A_468 : memref<256x128xf32, #tpu.memory_space<vmem>>) dst(%dma_wait3A_465 : memref<256x128xf32, #tpu.memory_space<hbm>>)
    %dma_start3A_469 = arith.constant 0 : i32
    %dma_start3A_470 = arith.constant 0 : i32
    %dma_start3A_471 = tpu.memref_slice %arg13[%dma_start3A_469, %dma_start3A_470] : memref<768x128xf32, #tpu.memory_space<vmem>> -> memref<128x128xf32, #tpu.memory_space<vmem>>
    %dma_start3A_472 = arith.constant 1280 : i32
    %dma_start3A_473 = tpu.memref_slice %arg12[%dma_start3A_472] : memref<2560xi32, #tpu.memory_space<vmem>> -> memref<128xi32, #tpu.memory_space<vmem>>
    %dma_start3A_474 = arith.constant 0 : i32
    %dma_start3A_475 = arith.constant 0 : i32
    %dma_start3A_476 = tpu.memref_slice %arg6[%dma_start3A_474, %dma_start3A_475] : memref<100000x128xf32, #tpu.memory_space<hbm>> -> memref<100000x128xf32, #tpu.memory_space<hbm>>
    tpu.enqueue_indirect_dma source(%dma_start3A_476 : memref<100000x128xf32, #tpu.memory_space<hbm>>) target(%dma_start3A_471 : memref<128x128xf32, #tpu.memory_space<vmem>>) offsets(%dma_start3A_473 : memref<128xi32, #tpu.memory_space<vmem>>) semaphore(%arg14 : memref<!tpu.dma_semaphore, #tpu.memory_space<semaphore_mem>>)
    %dma_start3A_477 = arith.constant 128 : i32
    %dma_start3A_478 = arith.constant 0 : i32
    %dma_start3A_479 = tpu.memref_slice %arg13[%dma_start3A_477, %dma_start3A_478] : memref<768x128xf32, #tpu.memory_space<vmem>> -> memref<128x128xf32, #tpu.memory_space<vmem>>
    %dma_start3A_480 = arith.constant 1408 : i32
    %dma_start3A_481 = tpu.memref_slice %arg12[%dma_start3A_480] : memref<2560xi32, #tpu.memory_space<vmem>> -> memref<128xi32, #tpu.memory_space<vmem>>
    %dma_start3A_482 = arith.constant 0 : i32
    %dma_start3A_483 = arith.constant 0 : i32
    %dma_start3A_484 = tpu.memref_slice %arg6[%dma_start3A_482, %dma_start3A_483] : memref<100000x128xf32, #tpu.memory_space<hbm>> -> memref<100000x128xf32, #tpu.memory_space<hbm>>
    tpu.enqueue_indirect_dma source(%dma_start3A_484 : memref<100000x128xf32, #tpu.memory_space<hbm>>) target(%dma_start3A_479 : memref<128x128xf32, #tpu.memory_space<vmem>>) offsets(%dma_start3A_481 : memref<128xi32, #tpu.memory_space<vmem>>) semaphore(%arg15 : memref<!tpu.dma_semaphore, #tpu.memory_space<semaphore_mem>>)
    %dma_wait3A_485 = arith.constant 256 : i32
    %dma_wait3A_486 = arith.constant 0 : i32
    %dma_wait3A_487 = tpu.memref_slice %arg13[%dma_wait3A_485, %dma_wait3A_486] : memref<768x128xf32, #tpu.memory_space<vmem>> -> memref<128x128xf32, #tpu.memory_space<vmem>>
    %dma_wait3A_488 = arith.constant 768 : i32
    %dma_wait3A_489 = tpu.memref_slice %arg12[%dma_wait3A_488] : memref<2560xi32, #tpu.memory_space<vmem>> -> memref<128xi32, #tpu.memory_space<vmem>>
    %dma_wait3A_490 = arith.constant 0 : i32
    %dma_wait3A_491 = arith.constant 0 : i32
    %dma_wait3A_492 = tpu.memref_slice %arg6[%dma_wait3A_490, %dma_wait3A_491] : memref<100000x128xf32, #tpu.memory_space<hbm>> -> memref<100000x128xf32, #tpu.memory_space<hbm>>
    tpu.wait_indirect_dma semaphore(%arg16 : memref<!tpu.dma_semaphore, #tpu.memory_space<semaphore_mem>>) src(%dma_wait3A_492 : memref<100000x128xf32, #tpu.memory_space<hbm>>) dst(%dma_wait3A_487 : memref<128x128xf32, #tpu.memory_space<vmem>>)
    %dma_wait3A_493 = arith.constant 384 : i32
    %dma_wait3A_494 = arith.constant 0 : i32
    %dma_wait3A_495 = tpu.memref_slice %arg13[%dma_wait3A_493, %dma_wait3A_494] : memref<768x128xf32, #tpu.memory_space<vmem>> -> memref<128x128xf32, #tpu.memory_space<vmem>>
    %dma_wait3A_496 = arith.constant 896 : i32
    %dma_wait3A_497 = tpu.memref_slice %arg12[%dma_wait3A_496] : memref<2560xi32, #tpu.memory_space<vmem>> -> memref<128xi32, #tpu.memory_space<vmem>>
    %dma_wait3A_498 = arith.constant 0 : i32
    %dma_wait3A_499 = arith.constant 0 : i32
    %dma_wait3A_500 = tpu.memref_slice %arg6[%dma_wait3A_498, %dma_wait3A_499] : memref<100000x128xf32, #tpu.memory_space<hbm>> -> memref<100000x128xf32, #tpu.memory_space<hbm>>
    tpu.wait_indirect_dma semaphore(%arg17 : memref<!tpu.dma_semaphore, #tpu.memory_space<semaphore_mem>>) src(%dma_wait3A_500 : memref<100000x128xf32, #tpu.memory_space<hbm>>) dst(%dma_wait3A_495 : memref<128x128xf32, #tpu.memory_space<vmem>>)
    %dma_start3A_501 = arith.constant 256 : i32
    %dma_start3A_502 = arith.constant 0 : i32
    %dma_start3A_503 = tpu.memref_slice %arg13[%dma_start3A_501, %dma_start3A_502] : memref<768x128xf32, #tpu.memory_space<vmem>> -> memref<256x128xf32, #tpu.memory_space<vmem>>
    %dma_start3A_504 = arith.constant 0 : i32
    %dma_start3A_505 = tpu.memref_slice %arg9[%add3A_43, %dma_start3A_504] : memref<81920x128xf32, #tpu.memory_space<hbm>> -> memref<256x128xf32, #tpu.memory_space<hbm>>
    %dma_start3A_506 = arith.constant 0 : i32
    %dma_start3A_507 = tpu.memref_slice %arg9[%add3A_43, %dma_start3A_506] : memref<81920x128xf32, #tpu.memory_space<hbm>> -> memref<256x128xf32, #tpu.memory_space<hbm>>
    %dma_start3A_508 = arith.constant 256 : i32
    %dma_start3A_509 = arith.constant 0 : i32
    %dma_start3A_510 = tpu.memref_slice %arg13[%dma_start3A_508, %dma_start3A_509] : memref<768x128xf32, #tpu.memory_space<vmem>> -> memref<256x128xf32, #tpu.memory_space<vmem>>
    tpu.enqueue_dma source(%dma_start3A_510 : memref<256x128xf32, #tpu.memory_space<vmem>>) target(%dma_start3A_507 : memref<256x128xf32, #tpu.memory_space<hbm>>) target_semaphore(%arg21 : memref<!tpu.dma_semaphore, #tpu.memory_space<semaphore_mem>>)
    %dma_wait3A_511 = arith.constant 256 : i32
    %dma_wait3A_512 = arith.constant 0 : i32
    %dma_wait3A_513 = tpu.memref_slice %arg13[%dma_wait3A_511, %dma_wait3A_512] : memref<768x128xf32, #tpu.memory_space<vmem>> -> memref<256x128xf32, #tpu.memory_space<vmem>>
    %dma_wait3A_514 = arith.constant 0 : i32
    %dma_wait3A_515 = tpu.memref_slice %arg9[%add3A_43, %dma_wait3A_514] : memref<81920x128xf32, #tpu.memory_space<hbm>> -> memref<256x128xf32, #tpu.memory_space<hbm>>
    %dma_wait3A_516 = arith.constant 0 : i32
    %dma_wait3A_517 = tpu.memref_slice %arg9[%add3A_43, %dma_wait3A_516] : memref<81920x128xf32, #tpu.memory_space<hbm>> -> memref<256x128xf32, #tpu.memory_space<hbm>>
    %dma_wait3A_518 = arith.constant 256 : i32
    %dma_wait3A_519 = arith.constant 0 : i32
    %dma_wait3A_520 = tpu.memref_slice %arg13[%dma_wait3A_518, %dma_wait3A_519] : memref<768x128xf32, #tpu.memory_space<vmem>> -> memref<256x128xf32, #tpu.memory_space<vmem>>
    tpu.wait_dma2 semaphore(%arg21 : memref<!tpu.dma_semaphore, #tpu.memory_space<semaphore_mem>>) src(%dma_wait3A_520 : memref<256x128xf32, #tpu.memory_space<vmem>>) dst(%dma_wait3A_517 : memref<256x128xf32, #tpu.memory_space<hbm>>)
    %dma_start3A_521 = arith.constant 256 : i32
    %dma_start3A_522 = arith.constant 0 : i32
    %dma_start3A_523 = tpu.memref_slice %arg13[%dma_start3A_521, %dma_start3A_522] : memref<768x128xf32, #tpu.memory_space<vmem>> -> memref<128x128xf32, #tpu.memory_space<vmem>>
    %dma_start3A_524 = arith.constant 1536 : i32
    %dma_start3A_525 = tpu.memref_slice %arg12[%dma_start3A_524] : memref<2560xi32, #tpu.memory_space<vmem>> -> memref<128xi32, #tpu.memory_space<vmem>>
    %dma_start3A_526 = arith.constant 0 : i32
    %dma_start3A_527 = arith.constant 0 : i32
    %dma_start3A_528 = tpu.memref_slice %arg6[%dma_start3A_526, %dma_start3A_527] : memref<100000x128xf32, #tpu.memory_space<hbm>> -> memref<100000x128xf32, #tpu.memory_space<hbm>>
    tpu.enqueue_indirect_dma source(%dma_start3A_528 : memref<100000x128xf32, #tpu.memory_space<hbm>>) target(%dma_start3A_523 : memref<128x128xf32, #tpu.memory_space<vmem>>) offsets(%dma_start3A_525 : memref<128xi32, #tpu.memory_space<vmem>>) semaphore(%arg16 : memref<!tpu.dma_semaphore, #tpu.memory_space<semaphore_mem>>)
    %dma_start3A_529 = arith.constant 384 : i32
    %dma_start3A_530 = arith.constant 0 : i32
    %dma_start3A_531 = tpu.memref_slice %arg13[%dma_start3A_529, %dma_start3A_530] : memref<768x128xf32, #tpu.memory_space<vmem>> -> memref<128x128xf32, #tpu.memory_space<vmem>>
    %dma_start3A_532 = arith.constant 1664 : i32
    %dma_start3A_533 = tpu.memref_slice %arg12[%dma_start3A_532] : memref<2560xi32, #tpu.memory_space<vmem>> -> memref<128xi32, #tpu.memory_space<vmem>>
    %dma_start3A_534 = arith.constant 0 : i32
    %dma_start3A_535 = arith.constant 0 : i32
    %dma_start3A_536 = tpu.memref_slice %arg6[%dma_start3A_534, %dma_start3A_535] : memref<100000x128xf32, #tpu.memory_space<hbm>> -> memref<100000x128xf32, #tpu.memory_space<hbm>>
    tpu.enqueue_indirect_dma source(%dma_start3A_536 : memref<100000x128xf32, #tpu.memory_space<hbm>>) target(%dma_start3A_531 : memref<128x128xf32, #tpu.memory_space<vmem>>) offsets(%dma_start3A_533 : memref<128xi32, #tpu.memory_space<vmem>>) semaphore(%arg17 : memref<!tpu.dma_semaphore, #tpu.memory_space<semaphore_mem>>)
    %dma_wait3A_537 = arith.constant 512 : i32
    %dma_wait3A_538 = arith.constant 0 : i32
    %dma_wait3A_539 = tpu.memref_slice %arg13[%dma_wait3A_537, %dma_wait3A_538] : memref<768x128xf32, #tpu.memory_space<vmem>> -> memref<128x128xf32, #tpu.memory_space<vmem>>
    %dma_wait3A_540 = arith.constant 1024 : i32
    %dma_wait3A_541 = tpu.memref_slice %arg12[%dma_wait3A_540] : memref<2560xi32, #tpu.memory_space<vmem>> -> memref<128xi32, #tpu.memory_space<vmem>>
    %dma_wait3A_542 = arith.constant 0 : i32
    %dma_wait3A_543 = arith.constant 0 : i32
    %dma_wait3A_544 = tpu.memref_slice %arg6[%dma_wait3A_542, %dma_wait3A_543] : memref<100000x128xf32, #tpu.memory_space<hbm>> -> memref<100000x128xf32, #tpu.memory_space<hbm>>
    tpu.wait_indirect_dma semaphore(%arg18 : memref<!tpu.dma_semaphore, #tpu.memory_space<semaphore_mem>>) src(%dma_wait3A_544 : memref<100000x128xf32, #tpu.memory_space<hbm>>) dst(%dma_wait3A_539 : memref<128x128xf32, #tpu.memory_space<vmem>>)
    %dma_wait3A_545 = arith.constant 640 : i32
    %dma_wait3A_546 = arith.constant 0 : i32
    %dma_wait3A_547 = tpu.memref_slice %arg13[%dma_wait3A_545, %dma_wait3A_546] : memref<768x128xf32, #tpu.memory_space<vmem>> -> memref<128x128xf32, #tpu.memory_space<vmem>>
    %dma_wait3A_548 = arith.constant 1152 : i32
    %dma_wait3A_549 = tpu.memref_slice %arg12[%dma_wait3A_548] : memref<2560xi32, #tpu.memory_space<vmem>> -> memref<128xi32, #tpu.memory_space<vmem>>
    %dma_wait3A_550 = arith.constant 0 : i32
    %dma_wait3A_551 = arith.constant 0 : i32
    %dma_wait3A_552 = tpu.memref_slice %arg6[%dma_wait3A_550, %dma_wait3A_551] : memref<100000x128xf32, #tpu.memory_space<hbm>> -> memref<100000x128xf32, #tpu.memory_space<hbm>>
    tpu.wait_indirect_dma semaphore(%arg19 : memref<!tpu.dma_semaphore, #tpu.memory_space<semaphore_mem>>) src(%dma_wait3A_552 : memref<100000x128xf32, #tpu.memory_space<hbm>>) dst(%dma_wait3A_547 : memref<128x128xf32, #tpu.memory_space<vmem>>)
    %dma_start3A_553 = arith.constant 512 : i32
    %dma_start3A_554 = arith.constant 0 : i32
    %dma_start3A_555 = tpu.memref_slice %arg13[%dma_start3A_553, %dma_start3A_554] : memref<768x128xf32, #tpu.memory_space<vmem>> -> memref<256x128xf32, #tpu.memory_space<vmem>>
    %dma_start3A_556 = arith.constant 0 : i32
    %dma_start3A_557 = tpu.memref_slice %arg9[%add3A_47, %dma_start3A_556] : memref<81920x128xf32, #tpu.memory_space<hbm>> -> memref<256x128xf32, #tpu.memory_space<hbm>>
    %dma_start3A_558 = arith.constant 0 : i32
    %dma_start3A_559 = tpu.memref_slice %arg9[%add3A_47, %dma_start3A_558] : memref<81920x128xf32, #tpu.memory_space<hbm>> -> memref<256x128xf32, #tpu.memory_space<hbm>>
    %dma_start3A_560 = arith.constant 512 : i32
    %dma_start3A_561 = arith.constant 0 : i32
    %dma_start3A_562 = tpu.memref_slice %arg13[%dma_start3A_560, %dma_start3A_561] : memref<768x128xf32, #tpu.memory_space<vmem>> -> memref<256x128xf32, #tpu.memory_space<vmem>>
    tpu.enqueue_dma source(%dma_start3A_562 : memref<256x128xf32, #tpu.memory_space<vmem>>) target(%dma_start3A_559 : memref<256x128xf32, #tpu.memory_space<hbm>>) target_semaphore(%arg22 : memref<!tpu.dma_semaphore, #tpu.memory_space<semaphore_mem>>)
    %dma_wait3A_563 = arith.constant 512 : i32
    %dma_wait3A_564 = arith.constant 0 : i32
    %dma_wait3A_565 = tpu.memref_slice %arg13[%dma_wait3A_563, %dma_wait3A_564] : memref<768x128xf32, #tpu.memory_space<vmem>> -> memref<256x128xf32, #tpu.memory_space<vmem>>
    %dma_wait3A_566 = arith.constant 0 : i32
    %dma_wait3A_567 = tpu.memref_slice %arg9[%add3A_47, %dma_wait3A_566] : memref<81920x128xf32, #tpu.memory_space<hbm>> -> memref<256x128xf32, #tpu.memory_space<hbm>>
    %dma_wait3A_568 = arith.constant 0 : i32
    %dma_wait3A_569 = tpu.memref_slice %arg9[%add3A_47, %dma_wait3A_568] : memref<81920x128xf32, #tpu.memory_space<hbm>> -> memref<256x128xf32, #tpu.memory_space<hbm>>
    %dma_wait3A_570 = arith.constant 512 : i32
    %dma_wait3A_571 = arith.constant 0 : i32
    %dma_wait3A_572 = tpu.memref_slice %arg13[%dma_wait3A_570, %dma_wait3A_571] : memref<768x128xf32, #tpu.memory_space<vmem>> -> memref<256x128xf32, #tpu.memory_space<vmem>>
    tpu.wait_dma2 semaphore(%arg22 : memref<!tpu.dma_semaphore, #tpu.memory_space<semaphore_mem>>) src(%dma_wait3A_572 : memref<256x128xf32, #tpu.memory_space<vmem>>) dst(%dma_wait3A_569 : memref<256x128xf32, #tpu.memory_space<hbm>>)
    %dma_start3A_573 = arith.constant 512 : i32
    %dma_start3A_574 = arith.constant 0 : i32
    %dma_start3A_575 = tpu.memref_slice %arg13[%dma_start3A_573, %dma_start3A_574] : memref<768x128xf32, #tpu.memory_space<vmem>> -> memref<128x128xf32, #tpu.memory_space<vmem>>
    %dma_start3A_576 = arith.constant 1792 : i32
    %dma_start3A_577 = tpu.memref_slice %arg12[%dma_start3A_576] : memref<2560xi32, #tpu.memory_space<vmem>> -> memref<128xi32, #tpu.memory_space<vmem>>
    %dma_start3A_578 = arith.constant 0 : i32
    %dma_start3A_579 = arith.constant 0 : i32
    %dma_start3A_580 = tpu.memref_slice %arg6[%dma_start3A_578, %dma_start3A_579] : memref<100000x128xf32, #tpu.memory_space<hbm>> -> memref<100000x128xf32, #tpu.memory_space<hbm>>
    tpu.enqueue_indirect_dma source(%dma_start3A_580 : memref<100000x128xf32, #tpu.memory_space<hbm>>) target(%dma_start3A_575 : memref<128x128xf32, #tpu.memory_space<vmem>>) offsets(%dma_start3A_577 : memref<128xi32, #tpu.memory_space<vmem>>) semaphore(%arg18 : memref<!tpu.dma_semaphore, #tpu.memory_space<semaphore_mem>>)
    %dma_start3A_581 = arith.constant 640 : i32
    %dma_start3A_582 = arith.constant 0 : i32
    %dma_start3A_583 = tpu.memref_slice %arg13[%dma_start3A_581, %dma_start3A_582] : memref<768x128xf32, #tpu.memory_space<vmem>> -> memref<128x128xf32, #tpu.memory_space<vmem>>
    %dma_start3A_584 = arith.constant 1920 : i32
    %dma_start3A_585 = tpu.memref_slice %arg12[%dma_start3A_584] : memref<2560xi32, #tpu.memory_space<vmem>> -> memref<128xi32, #tpu.memory_space<vmem>>
    %dma_start3A_586 = arith.constant 0 : i32
    %dma_start3A_587 = arith.constant 0 : i32
    %dma_start3A_588 = tpu.memref_slice %arg6[%dma_start3A_586, %dma_start3A_587] : memref<100000x128xf32, #tpu.memory_space<hbm>> -> memref<100000x128xf32, #tpu.memory_space<hbm>>
    tpu.enqueue_indirect_dma source(%dma_start3A_588 : memref<100000x128xf32, #tpu.memory_space<hbm>>) target(%dma_start3A_583 : memref<128x128xf32, #tpu.memory_space<vmem>>) offsets(%dma_start3A_585 : memref<128xi32, #tpu.memory_space<vmem>>) semaphore(%arg19 : memref<!tpu.dma_semaphore, #tpu.memory_space<semaphore_mem>>)
    %dma_wait3A_589 = arith.constant 0 : i32
    %dma_wait3A_590 = arith.constant 0 : i32
    %dma_wait3A_591 = tpu.memref_slice %arg13[%dma_wait3A_589, %dma_wait3A_590] : memref<768x128xf32, #tpu.memory_space<vmem>> -> memref<128x128xf32, #tpu.memory_space<vmem>>
    %dma_wait3A_592 = arith.constant 1280 : i32
    %dma_wait3A_593 = tpu.memref_slice %arg12[%dma_wait3A_592] : memref<2560xi32, #tpu.memory_space<vmem>> -> memref<128xi32, #tpu.memory_space<vmem>>
    %dma_wait3A_594 = arith.constant 0 : i32
    %dma_wait3A_595 = arith.constant 0 : i32
    %dma_wait3A_596 = tpu.memref_slice %arg6[%dma_wait3A_594, %dma_wait3A_595] : memref<100000x128xf32, #tpu.memory_space<hbm>> -> memref<100000x128xf32, #tpu.memory_space<hbm>>
    tpu.wait_indirect_dma semaphore(%arg14 : memref<!tpu.dma_semaphore, #tpu.memory_space<semaphore_mem>>) src(%dma_wait3A_596 : memref<100000x128xf32, #tpu.memory_space<hbm>>) dst(%dma_wait3A_591 : memref<128x128xf32, #tpu.memory_space<vmem>>)
    %dma_wait3A_597 = arith.constant 128 : i32
    %dma_wait3A_598 = arith.constant 0 : i32
    %dma_wait3A_599 = tpu.memref_slice %arg13[%dma_wait3A_597, %dma_wait3A_598] : memref<768x128xf32, #tpu.memory_space<vmem>> -> memref<128x128xf32, #tpu.memory_space<vmem>>
    %dma_wait3A_600 = arith.constant 1408 : i32
    %dma_wait3A_601 = tpu.memref_slice %arg12[%dma_wait3A_600] : memref<2560xi32, #tpu.memory_space<vmem>> -> memref<128xi32, #tpu.memory_space<vmem>>
    %dma_wait3A_602 = arith.constant 0 : i32
    %dma_wait3A_603 = arith.constant 0 : i32
    %dma_wait3A_604 = tpu.memref_slice %arg6[%dma_wait3A_602, %dma_wait3A_603] : memref<100000x128xf32, #tpu.memory_space<hbm>> -> memref<100000x128xf32, #tpu.memory_space<hbm>>
    tpu.wait_indirect_dma semaphore(%arg15 : memref<!tpu.dma_semaphore, #tpu.memory_space<semaphore_mem>>) src(%dma_wait3A_604 : memref<100000x128xf32, #tpu.memory_space<hbm>>) dst(%dma_wait3A_599 : memref<128x128xf32, #tpu.memory_space<vmem>>)
    %dma_start3A_605 = arith.constant 0 : i32
    %dma_start3A_606 = arith.constant 0 : i32
    %dma_start3A_607 = tpu.memref_slice %arg13[%dma_start3A_605, %dma_start3A_606] : memref<768x128xf32, #tpu.memory_space<vmem>> -> memref<256x128xf32, #tpu.memory_space<vmem>>
    %dma_start3A_608 = arith.constant 0 : i32
    %dma_start3A_609 = tpu.memref_slice %arg9[%add3A_51, %dma_start3A_608] : memref<81920x128xf32, #tpu.memory_space<hbm>> -> memref<256x128xf32, #tpu.memory_space<hbm>>
    %dma_start3A_610 = arith.constant 0 : i32
    %dma_start3A_611 = tpu.memref_slice %arg9[%add3A_51, %dma_start3A_610] : memref<81920x128xf32, #tpu.memory_space<hbm>> -> memref<256x128xf32, #tpu.memory_space<hbm>>
    %dma_start3A_612 = arith.constant 0 : i32
    %dma_start3A_613 = arith.constant 0 : i32
    %dma_start3A_614 = tpu.memref_slice %arg13[%dma_start3A_612, %dma_start3A_613] : memref<768x128xf32, #tpu.memory_space<vmem>> -> memref<256x128xf32, #tpu.memory_space<vmem>>
    tpu.enqueue_dma source(%dma_start3A_614 : memref<256x128xf32, #tpu.memory_space<vmem>>) target(%dma_start3A_611 : memref<256x128xf32, #tpu.memory_space<hbm>>) target_semaphore(%arg20 : memref<!tpu.dma_semaphore, #tpu.memory_space<semaphore_mem>>)
    %dma_wait3A_615 = arith.constant 0 : i32
    %dma_wait3A_616 = arith.constant 0 : i32
    %dma_wait3A_617 = tpu.memref_slice %arg13[%dma_wait3A_615, %dma_wait3A_616] : memref<768x128xf32, #tpu.memory_space<vmem>> -> memref<256x128xf32, #tpu.memory_space<vmem>>
    %dma_wait3A_618 = arith.constant 0 : i32
    %dma_wait3A_619 = tpu.memref_slice %arg9[%add3A_51, %dma_wait3A_618] : memref<81920x128xf32, #tpu.memory_space<hbm>> -> memref<256x128xf32, #tpu.memory_space<hbm>>
    %dma_wait3A_620 = arith.constant 0 : i32
    %dma_wait3A_621 = tpu.memref_slice %arg9[%add3A_51, %dma_wait3A_620] : memref<81920x128xf32, #tpu.memory_space<hbm>> -> memref<256x128xf32, #tpu.memory_space<hbm>>
    %dma_wait3A_622 = arith.constant 0 : i32
    %dma_wait3A_623 = arith.constant 0 : i32
    %dma_wait3A_624 = tpu.memref_slice %arg13[%dma_wait3A_622, %dma_wait3A_623] : memref<768x128xf32, #tpu.memory_space<vmem>> -> memref<256x128xf32, #tpu.memory_space<vmem>>
    tpu.wait_dma2 semaphore(%arg20 : memref<!tpu.dma_semaphore, #tpu.memory_space<semaphore_mem>>) src(%dma_wait3A_624 : memref<256x128xf32, #tpu.memory_space<vmem>>) dst(%dma_wait3A_621 : memref<256x128xf32, #tpu.memory_space<hbm>>)
    %dma_start3A_625 = arith.constant 0 : i32
    %dma_start3A_626 = arith.constant 0 : i32
    %dma_start3A_627 = tpu.memref_slice %arg13[%dma_start3A_625, %dma_start3A_626] : memref<768x128xf32, #tpu.memory_space<vmem>> -> memref<128x128xf32, #tpu.memory_space<vmem>>
    %dma_start3A_628 = arith.constant 2048 : i32
    %dma_start3A_629 = tpu.memref_slice %arg12[%dma_start3A_628] : memref<2560xi32, #tpu.memory_space<vmem>> -> memref<128xi32, #tpu.memory_space<vmem>>
    %dma_start3A_630 = arith.constant 0 : i32
    %dma_start3A_631 = arith.constant 0 : i32
    %dma_start3A_632 = tpu.memref_slice %arg6[%dma_start3A_630, %dma_start3A_631] : memref<100000x128xf32, #tpu.memory_space<hbm>> -> memref<100000x128xf32, #tpu.memory_space<hbm>>
    tpu.enqueue_indirect_dma source(%dma_start3A_632 : memref<100000x128xf32, #tpu.memory_space<hbm>>) target(%dma_start3A_627 : memref<128x128xf32, #tpu.memory_space<vmem>>) offsets(%dma_start3A_629 : memref<128xi32, #tpu.memory_space<vmem>>) semaphore(%arg14 : memref<!tpu.dma_semaphore, #tpu.memory_space<semaphore_mem>>)
    %dma_start3A_633 = arith.constant 128 : i32
    %dma_start3A_634 = arith.constant 0 : i32
    %dma_start3A_635 = tpu.memref_slice %arg13[%dma_start3A_633, %dma_start3A_634] : memref<768x128xf32, #tpu.memory_space<vmem>> -> memref<128x128xf32, #tpu.memory_space<vmem>>
    %dma_start3A_636 = arith.constant 2176 : i32
    %dma_start3A_637 = tpu.memref_slice %arg12[%dma_start3A_636] : memref<2560xi32, #tpu.memory_space<vmem>> -> memref<128xi32, #tpu.memory_space<vmem>>
    %dma_start3A_638 = arith.constant 0 : i32
    %dma_start3A_639 = arith.constant 0 : i32
    %dma_start3A_640 = tpu.memref_slice %arg6[%dma_start3A_638, %dma_start3A_639] : memref<100000x128xf32, #tpu.memory_space<hbm>> -> memref<100000x128xf32, #tpu.memory_space<hbm>>
    tpu.enqueue_indirect_dma source(%dma_start3A_640 : memref<100000x128xf32, #tpu.memory_space<hbm>>) target(%dma_start3A_635 : memref<128x128xf32, #tpu.memory_space<vmem>>) offsets(%dma_start3A_637 : memref<128xi32, #tpu.memory_space<vmem>>) semaphore(%arg15 : memref<!tpu.dma_semaphore, #tpu.memory_space<semaphore_mem>>)
    %dma_wait3A_641 = arith.constant 256 : i32
    %dma_wait3A_642 = arith.constant 0 : i32
    %dma_wait3A_643 = tpu.memref_slice %arg13[%dma_wait3A_641, %dma_wait3A_642] : memref<768x128xf32, #tpu.memory_space<vmem>> -> memref<128x128xf32, #tpu.memory_space<vmem>>
    %dma_wait3A_644 = arith.constant 1536 : i32
    %dma_wait3A_645 = tpu.memref_slice %arg12[%dma_wait3A_644] : memref<2560xi32, #tpu.memory_space<vmem>> -> memref<128xi32, #tpu.memory_space<vmem>>
    %dma_wait3A_646 = arith.constant 0 : i32
    %dma_wait3A_647 = arith.constant 0 : i32
    %dma_wait3A_648 = tpu.memref_slice %arg6[%dma_wait3A_646, %dma_wait3A_647] : memref<100000x128xf32, #tpu.memory_space<hbm>> -> memref<100000x128xf32, #tpu.memory_space<hbm>>
    tpu.wait_indirect_dma semaphore(%arg16 : memref<!tpu.dma_semaphore, #tpu.memory_space<semaphore_mem>>) src(%dma_wait3A_648 : memref<100000x128xf32, #tpu.memory_space<hbm>>) dst(%dma_wait3A_643 : memref<128x128xf32, #tpu.memory_space<vmem>>)
    %dma_wait3A_649 = arith.constant 384 : i32
    %dma_wait3A_650 = arith.constant 0 : i32
    %dma_wait3A_651 = tpu.memref_slice %arg13[%dma_wait3A_649, %dma_wait3A_650] : memref<768x128xf32, #tpu.memory_space<vmem>> -> memref<128x128xf32, #tpu.memory_space<vmem>>
    %dma_wait3A_652 = arith.constant 1664 : i32
    %dma_wait3A_653 = tpu.memref_slice %arg12[%dma_wait3A_652] : memref<2560xi32, #tpu.memory_space<vmem>> -> memref<128xi32, #tpu.memory_space<vmem>>
    %dma_wait3A_654 = arith.constant 0 : i32
    %dma_wait3A_655 = arith.constant 0 : i32
    %dma_wait3A_656 = tpu.memref_slice %arg6[%dma_wait3A_654, %dma_wait3A_655] : memref<100000x128xf32, #tpu.memory_space<hbm>> -> memref<100000x128xf32, #tpu.memory_space<hbm>>
    tpu.wait_indirect_dma semaphore(%arg17 : memref<!tpu.dma_semaphore, #tpu.memory_space<semaphore_mem>>) src(%dma_wait3A_656 : memref<100000x128xf32, #tpu.memory_space<hbm>>) dst(%dma_wait3A_651 : memref<128x128xf32, #tpu.memory_space<vmem>>)
    %dma_start3A_657 = arith.constant 256 : i32
    %dma_start3A_658 = arith.constant 0 : i32
    %dma_start3A_659 = tpu.memref_slice %arg13[%dma_start3A_657, %dma_start3A_658] : memref<768x128xf32, #tpu.memory_space<vmem>> -> memref<256x128xf32, #tpu.memory_space<vmem>>
    %dma_start3A_660 = arith.constant 0 : i32
    %dma_start3A_661 = tpu.memref_slice %arg9[%add3A_55, %dma_start3A_660] : memref<81920x128xf32, #tpu.memory_space<hbm>> -> memref<256x128xf32, #tpu.memory_space<hbm>>
    %dma_start3A_662 = arith.constant 0 : i32
    %dma_start3A_663 = tpu.memref_slice %arg9[%add3A_55, %dma_start3A_662] : memref<81920x128xf32, #tpu.memory_space<hbm>> -> memref<256x128xf32, #tpu.memory_space<hbm>>
    %dma_start3A_664 = arith.constant 256 : i32
    %dma_start3A_665 = arith.constant 0 : i32
    %dma_start3A_666 = tpu.memref_slice %arg13[%dma_start3A_664, %dma_start3A_665] : memref<768x128xf32, #tpu.memory_space<vmem>> -> memref<256x128xf32, #tpu.memory_space<vmem>>
    tpu.enqueue_dma source(%dma_start3A_666 : memref<256x128xf32, #tpu.memory_space<vmem>>) target(%dma_start3A_663 : memref<256x128xf32, #tpu.memory_space<hbm>>) target_semaphore(%arg21 : memref<!tpu.dma_semaphore, #tpu.memory_space<semaphore_mem>>)
    %dma_wait3A_667 = arith.constant 256 : i32
    %dma_wait3A_668 = arith.constant 0 : i32
    %dma_wait3A_669 = tpu.memref_slice %arg13[%dma_wait3A_667, %dma_wait3A_668] : memref<768x128xf32, #tpu.memory_space<vmem>> -> memref<256x128xf32, #tpu.memory_space<vmem>>
    %dma_wait3A_670 = arith.constant 0 : i32
    %dma_wait3A_671 = tpu.memref_slice %arg9[%add3A_55, %dma_wait3A_670] : memref<81920x128xf32, #tpu.memory_space<hbm>> -> memref<256x128xf32, #tpu.memory_space<hbm>>
    %dma_wait3A_672 = arith.constant 0 : i32
    %dma_wait3A_673 = tpu.memref_slice %arg9[%add3A_55, %dma_wait3A_672] : memref<81920x128xf32, #tpu.memory_space<hbm>> -> memref<256x128xf32, #tpu.memory_space<hbm>>
    %dma_wait3A_674 = arith.constant 256 : i32
    %dma_wait3A_675 = arith.constant 0 : i32
    %dma_wait3A_676 = tpu.memref_slice %arg13[%dma_wait3A_674, %dma_wait3A_675] : memref<768x128xf32, #tpu.memory_space<vmem>> -> memref<256x128xf32, #tpu.memory_space<vmem>>
    tpu.wait_dma2 semaphore(%arg21 : memref<!tpu.dma_semaphore, #tpu.memory_space<semaphore_mem>>) src(%dma_wait3A_676 : memref<256x128xf32, #tpu.memory_space<vmem>>) dst(%dma_wait3A_673 : memref<256x128xf32, #tpu.memory_space<hbm>>)
    %dma_start3A_677 = arith.constant 256 : i32
    %dma_start3A_678 = arith.constant 0 : i32
    %dma_start3A_679 = tpu.memref_slice %arg13[%dma_start3A_677, %dma_start3A_678] : memref<768x128xf32, #tpu.memory_space<vmem>> -> memref<128x128xf32, #tpu.memory_space<vmem>>
    %dma_start3A_680 = arith.constant 2304 : i32
    %dma_start3A_681 = tpu.memref_slice %arg12[%dma_start3A_680] : memref<2560xi32, #tpu.memory_space<vmem>> -> memref<128xi32, #tpu.memory_space<vmem>>
    %dma_start3A_682 = arith.constant 0 : i32
    %dma_start3A_683 = arith.constant 0 : i32
    %dma_start3A_684 = tpu.memref_slice %arg6[%dma_start3A_682, %dma_start3A_683] : memref<100000x128xf32, #tpu.memory_space<hbm>> -> memref<100000x128xf32, #tpu.memory_space<hbm>>
    tpu.enqueue_indirect_dma source(%dma_start3A_684 : memref<100000x128xf32, #tpu.memory_space<hbm>>) target(%dma_start3A_679 : memref<128x128xf32, #tpu.memory_space<vmem>>) offsets(%dma_start3A_681 : memref<128xi32, #tpu.memory_space<vmem>>) semaphore(%arg16 : memref<!tpu.dma_semaphore, #tpu.memory_space<semaphore_mem>>)
    %dma_start3A_685 = arith.constant 384 : i32
    %dma_start3A_686 = arith.constant 0 : i32
    %dma_start3A_687 = tpu.memref_slice %arg13[%dma_start3A_685, %dma_start3A_686] : memref<768x128xf32, #tpu.memory_space<vmem>> -> memref<128x128xf32, #tpu.memory_space<vmem>>
    %dma_start3A_688 = arith.constant 2432 : i32
    %dma_start3A_689 = tpu.memref_slice %arg12[%dma_start3A_688] : memref<2560xi32, #tpu.memory_space<vmem>> -> memref<128xi32, #tpu.memory_space<vmem>>
    %dma_start3A_690 = arith.constant 0 : i32
    %dma_start3A_691 = arith.constant 0 : i32
    %dma_start3A_692 = tpu.memref_slice %arg6[%dma_start3A_690, %dma_start3A_691] : memref<100000x128xf32, #tpu.memory_space<hbm>> -> memref<100000x128xf32, #tpu.memory_space<hbm>>
    tpu.enqueue_indirect_dma source(%dma_start3A_692 : memref<100000x128xf32, #tpu.memory_space<hbm>>) target(%dma_start3A_687 : memref<128x128xf32, #tpu.memory_space<vmem>>) offsets(%dma_start3A_689 : memref<128xi32, #tpu.memory_space<vmem>>) semaphore(%arg17 : memref<!tpu.dma_semaphore, #tpu.memory_space<semaphore_mem>>)
    %dma_wait3A_693 = arith.constant 512 : i32
    %dma_wait3A_694 = arith.constant 0 : i32
    %dma_wait3A_695 = tpu.memref_slice %arg13[%dma_wait3A_693, %dma_wait3A_694] : memref<768x128xf32, #tpu.memory_space<vmem>> -> memref<128x128xf32, #tpu.memory_space<vmem>>
    %dma_wait3A_696 = arith.constant 1792 : i32
    %dma_wait3A_697 = tpu.memref_slice %arg12[%dma_wait3A_696] : memref<2560xi32, #tpu.memory_space<vmem>> -> memref<128xi32, #tpu.memory_space<vmem>>
    %dma_wait3A_698 = arith.constant 0 : i32
    %dma_wait3A_699 = arith.constant 0 : i32
    %dma_wait3A_700 = tpu.memref_slice %arg6[%dma_wait3A_698, %dma_wait3A_699] : memref<100000x128xf32, #tpu.memory_space<hbm>> -> memref<100000x128xf32, #tpu.memory_space<hbm>>
    tpu.wait_indirect_dma semaphore(%arg18 : memref<!tpu.dma_semaphore, #tpu.memory_space<semaphore_mem>>) src(%dma_wait3A_700 : memref<100000x128xf32, #tpu.memory_space<hbm>>) dst(%dma_wait3A_695 : memref<128x128xf32, #tpu.memory_space<vmem>>)
    %dma_wait3A_701 = arith.constant 640 : i32
    %dma_wait3A_702 = arith.constant 0 : i32
    %dma_wait3A_703 = tpu.memref_slice %arg13[%dma_wait3A_701, %dma_wait3A_702] : memref<768x128xf32, #tpu.memory_space<vmem>> -> memref<128x128xf32, #tpu.memory_space<vmem>>
    %dma_wait3A_704 = arith.constant 1920 : i32
    %dma_wait3A_705 = tpu.memref_slice %arg12[%dma_wait3A_704] : memref<2560xi32, #tpu.memory_space<vmem>> -> memref<128xi32, #tpu.memory_space<vmem>>
    %dma_wait3A_706 = arith.constant 0 : i32
    %dma_wait3A_707 = arith.constant 0 : i32
    %dma_wait3A_708 = tpu.memref_slice %arg6[%dma_wait3A_706, %dma_wait3A_707] : memref<100000x128xf32, #tpu.memory_space<hbm>> -> memref<100000x128xf32, #tpu.memory_space<hbm>>
    tpu.wait_indirect_dma semaphore(%arg19 : memref<!tpu.dma_semaphore, #tpu.memory_space<semaphore_mem>>) src(%dma_wait3A_708 : memref<100000x128xf32, #tpu.memory_space<hbm>>) dst(%dma_wait3A_703 : memref<128x128xf32, #tpu.memory_space<vmem>>)
    %dma_start3A_709 = arith.constant 512 : i32
    %dma_start3A_710 = arith.constant 0 : i32
    %dma_start3A_711 = tpu.memref_slice %arg13[%dma_start3A_709, %dma_start3A_710] : memref<768x128xf32, #tpu.memory_space<vmem>> -> memref<256x128xf32, #tpu.memory_space<vmem>>
    %dma_start3A_712 = arith.constant 0 : i32
    %dma_start3A_713 = tpu.memref_slice %arg9[%add3A_59, %dma_start3A_712] : memref<81920x128xf32, #tpu.memory_space<hbm>> -> memref<256x128xf32, #tpu.memory_space<hbm>>
    %dma_start3A_714 = arith.constant 0 : i32
    %dma_start3A_715 = tpu.memref_slice %arg9[%add3A_59, %dma_start3A_714] : memref<81920x128xf32, #tpu.memory_space<hbm>> -> memref<256x128xf32, #tpu.memory_space<hbm>>
    %dma_start3A_716 = arith.constant 512 : i32
    %dma_start3A_717 = arith.constant 0 : i32
    %dma_start3A_718 = tpu.memref_slice %arg13[%dma_start3A_716, %dma_start3A_717] : memref<768x128xf32, #tpu.memory_space<vmem>> -> memref<256x128xf32, #tpu.memory_space<vmem>>
    tpu.enqueue_dma source(%dma_start3A_718 : memref<256x128xf32, #tpu.memory_space<vmem>>) target(%dma_start3A_715 : memref<256x128xf32, #tpu.memory_space<hbm>>) target_semaphore(%arg22 : memref<!tpu.dma_semaphore, #tpu.memory_space<semaphore_mem>>)
    %dma_wait3A_719 = arith.constant 0 : i32
    %dma_wait3A_720 = arith.constant 0 : i32
    %dma_wait3A_721 = tpu.memref_slice %arg13[%dma_wait3A_719, %dma_wait3A_720] : memref<768x128xf32, #tpu.memory_space<vmem>> -> memref<128x128xf32, #tpu.memory_space<vmem>>
    %dma_wait3A_722 = arith.constant 2048 : i32
    %dma_wait3A_723 = tpu.memref_slice %arg12[%dma_wait3A_722] : memref<2560xi32, #tpu.memory_space<vmem>> -> memref<128xi32, #tpu.memory_space<vmem>>
    %dma_wait3A_724 = arith.constant 0 : i32
    %dma_wait3A_725 = arith.constant 0 : i32
    %dma_wait3A_726 = tpu.memref_slice %arg6[%dma_wait3A_724, %dma_wait3A_725] : memref<100000x128xf32, #tpu.memory_space<hbm>> -> memref<100000x128xf32, #tpu.memory_space<hbm>>
    tpu.wait_indirect_dma semaphore(%arg14 : memref<!tpu.dma_semaphore, #tpu.memory_space<semaphore_mem>>) src(%dma_wait3A_726 : memref<100000x128xf32, #tpu.memory_space<hbm>>) dst(%dma_wait3A_721 : memref<128x128xf32, #tpu.memory_space<vmem>>)
    %dma_wait3A_727 = arith.constant 128 : i32
    %dma_wait3A_728 = arith.constant 0 : i32
    %dma_wait3A_729 = tpu.memref_slice %arg13[%dma_wait3A_727, %dma_wait3A_728] : memref<768x128xf32, #tpu.memory_space<vmem>> -> memref<128x128xf32, #tpu.memory_space<vmem>>
    %dma_wait3A_730 = arith.constant 2176 : i32
    %dma_wait3A_731 = tpu.memref_slice %arg12[%dma_wait3A_730] : memref<2560xi32, #tpu.memory_space<vmem>> -> memref<128xi32, #tpu.memory_space<vmem>>
    %dma_wait3A_732 = arith.constant 0 : i32
    %dma_wait3A_733 = arith.constant 0 : i32
    %dma_wait3A_734 = tpu.memref_slice %arg6[%dma_wait3A_732, %dma_wait3A_733] : memref<100000x128xf32, #tpu.memory_space<hbm>> -> memref<100000x128xf32, #tpu.memory_space<hbm>>
    tpu.wait_indirect_dma semaphore(%arg15 : memref<!tpu.dma_semaphore, #tpu.memory_space<semaphore_mem>>) src(%dma_wait3A_734 : memref<100000x128xf32, #tpu.memory_space<hbm>>) dst(%dma_wait3A_729 : memref<128x128xf32, #tpu.memory_space<vmem>>)
    %dma_start3A_735 = arith.constant 0 : i32
    %dma_start3A_736 = arith.constant 0 : i32
    %dma_start3A_737 = tpu.memref_slice %arg13[%dma_start3A_735, %dma_start3A_736] : memref<768x128xf32, #tpu.memory_space<vmem>> -> memref<256x128xf32, #tpu.memory_space<vmem>>
    %dma_start3A_738 = arith.constant 0 : i32
    %dma_start3A_739 = tpu.memref_slice %arg9[%add3A_63, %dma_start3A_738] : memref<81920x128xf32, #tpu.memory_space<hbm>> -> memref<256x128xf32, #tpu.memory_space<hbm>>
    %dma_start3A_740 = arith.constant 0 : i32
    %dma_start3A_741 = tpu.memref_slice %arg9[%add3A_63, %dma_start3A_740] : memref<81920x128xf32, #tpu.memory_space<hbm>> -> memref<256x128xf32, #tpu.memory_space<hbm>>
    %dma_start3A_742 = arith.constant 0 : i32
    %dma_start3A_743 = arith.constant 0 : i32
    %dma_start3A_744 = tpu.memref_slice %arg13[%dma_start3A_742, %dma_start3A_743] : memref<768x128xf32, #tpu.memory_space<vmem>> -> memref<256x128xf32, #tpu.memory_space<vmem>>
    tpu.enqueue_dma source(%dma_start3A_744 : memref<256x128xf32, #tpu.memory_space<vmem>>) target(%dma_start3A_741 : memref<256x128xf32, #tpu.memory_space<hbm>>) target_semaphore(%arg20 : memref<!tpu.dma_semaphore, #tpu.memory_space<semaphore_mem>>)
    %dma_wait3A_745 = arith.constant 256 : i32
    %dma_wait3A_746 = arith.constant 0 : i32
    %dma_wait3A_747 = tpu.memref_slice %arg13[%dma_wait3A_745, %dma_wait3A_746] : memref<768x128xf32, #tpu.memory_space<vmem>> -> memref<128x128xf32, #tpu.memory_space<vmem>>
    %dma_wait3A_748 = arith.constant 2304 : i32
    %dma_wait3A_749 = tpu.memref_slice %arg12[%dma_wait3A_748] : memref<2560xi32, #tpu.memory_space<vmem>> -> memref<128xi32, #tpu.memory_space<vmem>>
    %dma_wait3A_750 = arith.constant 0 : i32
    %dma_wait3A_751 = arith.constant 0 : i32
    %dma_wait3A_752 = tpu.memref_slice %arg6[%dma_wait3A_750, %dma_wait3A_751] : memref<100000x128xf32, #tpu.memory_space<hbm>> -> memref<100000x128xf32, #tpu.memory_space<hbm>>
    tpu.wait_indirect_dma semaphore(%arg16 : memref<!tpu.dma_semaphore, #tpu.memory_space<semaphore_mem>>) src(%dma_wait3A_752 : memref<100000x128xf32, #tpu.memory_space<hbm>>) dst(%dma_wait3A_747 : memref<128x128xf32, #tpu.memory_space<vmem>>)
    %dma_wait3A_753 = arith.constant 384 : i32
    %dma_wait3A_754 = arith.constant 0 : i32
    %dma_wait3A_755 = tpu.memref_slice %arg13[%dma_wait3A_753, %dma_wait3A_754] : memref<768x128xf32, #tpu.memory_space<vmem>> -> memref<128x128xf32, #tpu.memory_space<vmem>>
    %dma_wait3A_756 = arith.constant 2432 : i32
    %dma_wait3A_757 = tpu.memref_slice %arg12[%dma_wait3A_756] : memref<2560xi32, #tpu.memory_space<vmem>> -> memref<128xi32, #tpu.memory_space<vmem>>
    %dma_wait3A_758 = arith.constant 0 : i32
    %dma_wait3A_759 = arith.constant 0 : i32
    %dma_wait3A_760 = tpu.memref_slice %arg6[%dma_wait3A_758, %dma_wait3A_759] : memref<100000x128xf32, #tpu.memory_space<hbm>> -> memref<100000x128xf32, #tpu.memory_space<hbm>>
    tpu.wait_indirect_dma semaphore(%arg17 : memref<!tpu.dma_semaphore, #tpu.memory_space<semaphore_mem>>) src(%dma_wait3A_760 : memref<100000x128xf32, #tpu.memory_space<hbm>>) dst(%dma_wait3A_755 : memref<128x128xf32, #tpu.memory_space<vmem>>)
    %dma_start3A_761 = arith.constant 256 : i32
    %dma_start3A_762 = arith.constant 0 : i32
    %dma_start3A_763 = tpu.memref_slice %arg13[%dma_start3A_761, %dma_start3A_762] : memref<768x128xf32, #tpu.memory_space<vmem>> -> memref<256x128xf32, #tpu.memory_space<vmem>>
    %dma_start3A_764 = arith.constant 0 : i32
    %dma_start3A_765 = tpu.memref_slice %arg9[%add3A_67, %dma_start3A_764] : memref<81920x128xf32, #tpu.memory_space<hbm>> -> memref<256x128xf32, #tpu.memory_space<hbm>>
    %dma_start3A_766 = arith.constant 0 : i32
    %dma_start3A_767 = tpu.memref_slice %arg9[%add3A_67, %dma_start3A_766] : memref<81920x128xf32, #tpu.memory_space<hbm>> -> memref<256x128xf32, #tpu.memory_space<hbm>>
    %dma_start3A_768 = arith.constant 256 : i32
    %dma_start3A_769 = arith.constant 0 : i32
    %dma_start3A_770 = tpu.memref_slice %arg13[%dma_start3A_768, %dma_start3A_769] : memref<768x128xf32, #tpu.memory_space<vmem>> -> memref<256x128xf32, #tpu.memory_space<vmem>>
    tpu.enqueue_dma source(%dma_start3A_770 : memref<256x128xf32, #tpu.memory_space<vmem>>) target(%dma_start3A_767 : memref<256x128xf32, #tpu.memory_space<hbm>>) target_semaphore(%arg21 : memref<!tpu.dma_semaphore, #tpu.memory_space<semaphore_mem>>)
    %dma_wait3A_771 = arith.constant 0 : i32
    %dma_wait3A_772 = arith.constant 0 : i32
    %dma_wait3A_773 = tpu.memref_slice %arg13[%dma_wait3A_771, %dma_wait3A_772] : memref<768x128xf32, #tpu.memory_space<vmem>> -> memref<256x128xf32, #tpu.memory_space<vmem>>
    %dma_wait3A_774 = arith.constant 0 : i32
    %dma_wait3A_775 = tpu.memref_slice %arg9[%add3A_63, %dma_wait3A_774] : memref<81920x128xf32, #tpu.memory_space<hbm>> -> memref<256x128xf32, #tpu.memory_space<hbm>>
    %dma_wait3A_776 = arith.constant 0 : i32
    %dma_wait3A_777 = tpu.memref_slice %arg9[%add3A_63, %dma_wait3A_776] : memref<81920x128xf32, #tpu.memory_space<hbm>> -> memref<256x128xf32, #tpu.memory_space<hbm>>
    %dma_wait3A_778 = arith.constant 0 : i32
    %dma_wait3A_779 = arith.constant 0 : i32
    %dma_wait3A_780 = tpu.memref_slice %arg13[%dma_wait3A_778, %dma_wait3A_779] : memref<768x128xf32, #tpu.memory_space<vmem>> -> memref<256x128xf32, #tpu.memory_space<vmem>>
    tpu.wait_dma2 semaphore(%arg20 : memref<!tpu.dma_semaphore, #tpu.memory_space<semaphore_mem>>) src(%dma_wait3A_780 : memref<256x128xf32, #tpu.memory_space<vmem>>) dst(%dma_wait3A_777 : memref<256x128xf32, #tpu.memory_space<hbm>>)
    %dma_wait3A_781 = arith.constant 256 : i32
    %dma_wait3A_782 = arith.constant 0 : i32
    %dma_wait3A_783 = tpu.memref_slice %arg13[%dma_wait3A_781, %dma_wait3A_782] : memref<768x128xf32, #tpu.memory_space<vmem>> -> memref<256x128xf32, #tpu.memory_space<vmem>>
    %dma_wait3A_784 = arith.constant 0 : i32
    %dma_wait3A_785 = tpu.memref_slice %arg9[%add3A_67, %dma_wait3A_784] : memref<81920x128xf32, #tpu.memory_space<hbm>> -> memref<256x128xf32, #tpu.memory_space<hbm>>
    %dma_wait3A_786 = arith.constant 0 : i32
    %dma_wait3A_787 = tpu.memref_slice %arg9[%add3A_67, %dma_wait3A_786] : memref<81920x128xf32, #tpu.memory_space<hbm>> -> memref<256x128xf32, #tpu.memory_space<hbm>>
    %dma_wait3A_788 = arith.constant 256 : i32
    %dma_wait3A_789 = arith.constant 0 : i32
    %dma_wait3A_790 = tpu.memref_slice %arg13[%dma_wait3A_788, %dma_wait3A_789] : memref<768x128xf32, #tpu.memory_space<vmem>> -> memref<256x128xf32, #tpu.memory_space<vmem>>
    tpu.wait_dma2 semaphore(%arg21 : memref<!tpu.dma_semaphore, #tpu.memory_space<semaphore_mem>>) src(%dma_wait3A_790 : memref<256x128xf32, #tpu.memory_space<vmem>>) dst(%dma_wait3A_787 : memref<256x128xf32, #tpu.memory_space<hbm>>)
    %dma_wait3A_791 = arith.constant 512 : i32
    %dma_wait3A_792 = arith.constant 0 : i32
    %dma_wait3A_793 = tpu.memref_slice %arg13[%dma_wait3A_791, %dma_wait3A_792] : memref<768x128xf32, #tpu.memory_space<vmem>> -> memref<256x128xf32, #tpu.memory_space<vmem>>
    %dma_wait3A_794 = arith.constant 0 : i32
    %dma_wait3A_795 = tpu.memref_slice %arg9[%add3A_59, %dma_wait3A_794] : memref<81920x128xf32, #tpu.memory_space<hbm>> -> memref<256x128xf32, #tpu.memory_space<hbm>>
    %dma_wait3A_796 = arith.constant 0 : i32
    %dma_wait3A_797 = tpu.memref_slice %arg9[%add3A_59, %dma_wait3A_796] : memref<81920x128xf32, #tpu.memory_space<hbm>> -> memref<256x128xf32, #tpu.memory_space<hbm>>
    %dma_wait3A_798 = arith.constant 512 : i32
    %dma_wait3A_799 = arith.constant 0 : i32
    %dma_wait3A_800 = tpu.memref_slice %arg13[%dma_wait3A_798, %dma_wait3A_799] : memref<768x128xf32, #tpu.memory_space<vmem>> -> memref<256x128xf32, #tpu.memory_space<vmem>>
    tpu.wait_dma2 semaphore(%arg22 : memref<!tpu.dma_semaphore, #tpu.memory_space<semaphore_mem>>) src(%dma_wait3A_800 : memref<256x128xf32, #tpu.memory_space<vmem>>) dst(%dma_wait3A_797 : memref<256x128xf32, #tpu.memory_space<hbm>>)
    return
  }
}

</mosaic_0001>

<sc_bundles>
// kernel: kernel.3.cloned.1.call-start
scs
__scs_entry_jumppad:
0x0: {  	(pc) =	sbr.rel $0x88, $3  }
0x1: {  	(tag) =	ssettag $0x0;
	lr =	simm.s32 $0x1  }
0x2: {  	[smem:$0x3F9C] =	sst lr;
	_ =	strace $0xD0000000  }
0x3: {  	_ = 	snop  }
0x4: {  	_ = 	snop  }
0x5: {  	_ = 	snop  }
0x6: {  	_ = 	snop  }
0x7: {  	_ = 	snop  }
__scs_overlays_trampoline_lowered:
0x8: {  	[smem:$0x3FAB] =	sst s0  }
0x9: {  	[smem:$0x3FAC] =	sst s1  }
0xa: {  	[smem:$0x3FAD] =	sst s2  }
0xb: {  	[smem:$0x3FAE] =	sst s3  }
0xc: {  	[smem:$0x3FAF] =	sst s4  }
0xd: {  	[smem:$0x3FB0] =	sst s5  }
0xe: {  	[smem:$0x3FB1] =	sst s6  }
0xf: {  	[smem:$0x3FB2] =	sst s7  }
0x10: {  	[smem:$0x3FB3] =	sst s8  }
0x11: {  	[smem:$0x3FB4] =	sst s9;
	s0 =	simm.s32 @!p0 $0x0  }
0x12: {  	s1 =	sld [smem:$0x3F9A];
	s0 =	simm.s32 @p0 $0x1  }
0x13: {  	[smem:$0x3FB5] =	sst s0;
	s0 =	simm.s32 @!p1 $0x0  }
0x14: {  	s2 =	sld [smem:$0x3F99];
	s0 =	simm.s32 @p1 $0x1  }
0x15: {  	[smem:$0x3FB6] =	sst s0;
	s0 =	simm.s32 @!p2 $0x0  }
0x16: {  	s3 =	sld [smem:$0x3FDB];
	s0 =	simm.s32 @p2 $0x1  }
0x17: {  	s4 =	simm.s32 $0x1BF5;
	[smem:$0x3FB8] =	sst s0  }
0x18: {  	s0 =	sld [smem:$0x3F9B];
	_ =	swait.ge [sflag:s4], $0x0  }
0x19: {  	s7 =	sld [smem:$0x3F9C]  }
0x1a: {  	s8 =	sadd.s32 $0xFFFFE003, lr  }
0x1b: {  	s9 =	sadd.s32 $0xFFFFFEF7, lr;
	s5 =	simm.s32 $0xFFFFFFFF;
	p2 =	slt.u32 s8, $0xFFFFF086  }
0x1c: {  	p1 =	slt.u32 s9, $0xF7A;
	s5 =	simm.s32 @!p2 $0x0  }
0x1d: {  	s5 =	simm.s32 @p1 $0x1;
	p0 =	seq.s32 s7, s2  }
0x1e: {  	s7 =	smul.u32 @!p0 $0xF7A, s2;
	p2 =	seq.s32 @!p0 s5, $0x0  }
0x1f: {  	s9 =	smul.u32 $0xF7A, s1;
	s8 =	simm.s32 @!p0 $0x1BF5;
	p2 =	por !p2, p0  }
0x20: {  	[sflag:s8] =	ssyncset.s32 @!p0 $0xFFFFF086;
	s6 =	sadd.s32 @!p0 s3, s7;
	s7 =	simm.s32 @!p0 $0x108  }
0x21: {  	s3 =	sadd.s32 s3, s9;
	s6 =	sadd.s32 @!p0 $0x88, s6;
	s7 =	simm.s32 @p2 $0x1082  }
0x22: {  	[simem:s7], [sflag:s8] =	dma.local @!p0 [hbm:s6], $0xF7A  }
0x23: {  	s9 =	sor.u32 $0xD0000000, s2;
	s6 =	simm.s32 $0x108;
	_ =	swait.ge @!p0 [sflag:s8], $0x0  }
0x24: {  	s3 =	sadd.s32 $0x88, s3;
	s6 =	simm.s32 @!p1 $0x1082;
	[sflag:s4] =	ssyncset.s32 $0xFFFFF086  }
0x25: {  	[simem:s6], [sflag:s4] =	dma.local [hbm:s3], $0xF7A  }
0x26: {  	[smem:$0x3F9C] =	sst s1;
	(tag) =	ssettag s2;
	_ =	strace s9  }
0x27: {  	s1 =	sld [smem:$0x3FAC]  }
0x28: {  	s2 =	sld [smem:$0x3FAD]  }
0x29: {  	s4 =	sld [smem:$0x3FAF]  }
0x2a: {  	p0 =	seq.s32 s5, $0x0;
	s5 =	sld [smem:$0x3FB0]  }
0x2b: {  	s6 =	sld [smem:$0x3FB1]  }
0x2c: {  	s7 =	sld [smem:$0x3FB2]  }
0x2d: {  	s3 =	simm.s32 $0x108;
	s8 =	sld [smem:$0x3FB3]  }
0x2e: {  	s3 =	simm.s32 @!p0 $0x1082;
	s9 =	sld [smem:$0x3FB4]  }
0x2f: {  	lr =	sadd.s32 s0, s3;
	s0 =	sld [smem:$0x3FAB]  }
0x30: {  	s3 =	sld [smem:$0x3FAE]  }
0x31: {  	[smem:$0x3FB7] =	sst s10  }
0x32: {  	s10 =	sld [smem:$0x3FB5];
	_ =	sdelay $0x3  }
0x33: {  	p0 =	seq.s32 s10, $0x1;
	s10 =	sld [smem:$0x3FB7];
	_ =	sdelay $0x3  }
0x34: {  	[smem:$0x3FB7] =	sst s10  }
0x35: {  	s10 =	sld [smem:$0x3FB6];
	_ =	sdelay $0x3  }
0x36: {  	p1 =	seq.s32 s10, $0x1;
	s10 =	sld [smem:$0x3FB7];
	_ =	sdelay $0x3  }
0x37: {  	[smem:$0x3FB7] =	sst s10  }
0x38: {  	s10 =	sld [smem:$0x3FB8]  }
0x39: {  	_ = 	snop;
	(pc) =	sbr.ind lr, $3  }
0x3a: {  	_ = 	snop  }
0x3b: {  	_ = 	snop  }
0x3c: {  	p2 =	seq.s32 s10, $0x1;
	s10 =	sld [smem:$0x3FB7]  }
0x3d: {  	_ =	shalt  }
0x3e: {  	_ =	shalt  }
0x3f: {  	_ =	shalt  }
0x40: {  	_ =	shalt  }
0x41: {  	_ =	shalt  }
0x42: {  	_ =	shalt  }
0x43: {  	_ =	shalt  }
0x44: {  	_ =	shalt  }
0x45: {  	_ =	shalt  }
0x46: {  	_ =	shalt  }
0x47: {  	_ =	shalt  }
0x48: {  	_ =	shalt  }
0x49: {  	_ =	shalt  }
0x4a: {  	_ =	shalt  }
0x4b: {  	_ =	shalt  }
0x4c: {  	_ =	shalt  }
0x4d: {  	_ =	shalt  }
0x4e: {  	_ =	shalt  }
0x4f: {  	_ =	shalt  }
0x50: {  	_ =	shalt  }
0x51: {  	_ =	shalt  }
0x52: {  	_ =	shalt  }
0x53: {  	_ =	shalt  }
0x54: {  	_ =	shalt  }
0x55: {  	_ =	shalt  }
0x56: {  	_ =	shalt  }
0x57: {  	_ =	shalt  }
0x58: {  	_ =	shalt  }
0x59: {  	_ =	shalt  }
0x5a: {  	_ =	shalt  }
0x5b: {  	_ =	shalt  }
0x5c: {  	_ =	shalt  }
0x5d: {  	_ =	shalt  }
0x5e: {  	_ =	shalt  }
0x5f: {  	_ =	shalt  }
0x60: {  	_ =	shalt  }
0x61: {  	_ =	shalt  }
0x62: {  	_ =	shalt  }
0x63: {  	_ =	shalt  }
0x64: {  	_ =	shalt  }
0x65: {  	_ =	shalt  }
0x66: {  	_ =	shalt  }
0x67: {  	_ =	shalt  }
0x68: {  	_ =	shalt  }
0x69: {  	_ =	shalt  }
0x6a: {  	_ =	shalt  }
0x6b: {  	_ =	shalt  }
0x6c: {  	_ =	shalt  }
0x6d: {  	_ =	shalt  }
0x6e: {  	_ =	shalt  }
0x6f: {  	_ =	shalt  }
0x70: {  	_ =	shalt  }
0x71: {  	_ =	shalt  }
0x72: {  	_ =	shalt  }
0x73: {  	_ =	shalt  }
0x74: {  	_ =	shalt  }
0x75: {  	_ =	shalt  }
0x76: {  	_ =	shalt  }
0x77: {  	_ =	shalt  }
0x78: {  	_ =	shalt  }
0x79: {  	_ =	shalt  }
0x7a: {  	_ =	shalt  }
0x7b: {  	_ =	shalt  }
0x7c: {  	_ =	shalt  }
0x7d: {  	_ =	shalt  }
0x7e: {  	_ =	shalt  }
0x7f: {  	_ =	shalt  }
0x80: {  	_ =	shalt  }
0x81: {  	_ =	shalt  }
0x82: {  	_ =	shalt  }
0x83: {  	_ =	shalt  }
0x84: {  	_ =	shalt  }
0x85: {  	_ =	shalt  }
0x86: {  	_ =	shalt  }
0x87: {  	_ =	shalt  }
.Lfunc_end0:
.L_simem_size_0:
called_computation_lowered:
.L_overlay_start_0:
0x88: {  	s2 =	sld [smem:$0x3FD9]  }
0x89: {  	s3 =	sld [smem:$0x3FFE];
	_ =	sdelay $0x1  }
0x8a: {  	s1 =	srdreg.scid  }
0x8b: {  	s0 =	sand.u32 $0x1, s1  }
0x8c: {  	s14 =	sshll.u32 s0, $0xA;
	s2 =	sadd.s32 s3, s2  }
0x8d: {  	s2 =	sadd.s32 s2, s14  }
0x8e: {  	[smem:$0x3FC3] =	sst s2  }
0x8f: {  	_ = 	snop  }
0x90: {  	s2 =	sld [smem:$0x3FC9]  }
0x91: {  	s15 =	sld [smem:$0x3FD0]  }
0x92: {  	s4 =	sld [smem:$0x3FC8]  }
0x93: {  	s5 =	sld [smem:$0x3FC6]  }
0x94: {  	s7 =	simm.s32 $0xA;
	s8 =	simm.s32 $0x10;
	s6 =	sld [smem:$0x3FC5]  }
0x95: {  	[smem:s8], [sflag:s7] =	dma.local [hbm:s15], $0x1  }
0x96: {  	_ =	swait.eq [sflag:s7], $0x1  }
0x97: {  	s16 =	sld [smem:$0x10];
	[sflag:s7] =	ssyncset.done $0x0  }
0x98: {  	s17 =	sld [smem:$0x11];
	[sflag:s7] =	ssyncadd.s32 $0xFFFFFFFF  }
0x99: {  	s18 =	sld [smem:$0x12];
	(tm) =	ssettm $0x1  }
0x9a: {  	s9 =	sld [smem:$0x3FFB];
	_ =	sdelay $0x3  }
0x9b: {  	_ =	strace s9  }
0x9c: {  	s9 =	sld [smem:$0x3FFC];
	_ =	sdelay $0x3  }
0x9d: {  	_ =	strace s9  }
0x9e: {  	s9 =	sld [smem:$0x3FFD];
	_ =	sdelay $0x3  }
0x9f: {  	_ =	strace s9  }
0xa0: {  	_ =	strace $0x8FFFFFFF  }
0xa1: {  	s19 =	sld [smem:$0x3FDB];
	_ =	sdelay $0x1  }
0xa2: {  	s10 =	simm.s32 $_scs_section_size  }
0xa3: {  	s11 =	simm.s32 $_size__tile_overlayer_lowered;
	s12 =	simm.s32 $_tile_overlayer_lowered  }
0xa4: {  	s22 =	simm.s32 $0x1BFF;
	s21 =	sshll.u32 s12, $0x1;
	s9 =	sadd.s32 s10, s19  }
0xa5: {  	s13 =	simm.s32 $0x0;
	s20 =	sshll.u32 s11, $0x1;
	s11 =	sadd.s32 s21, s9  }
0xa6: {  	[timem:s13], [sflag:s22] =	dma.local [hbm:s11], s20  }
0xa7: {  	_ =	swait.ge [sflag:s22], s20  }
0xa8: {  	s10 =	ssub.s32 $0x0, s20;
	[sflag:s22] =	ssyncset.done $0x0  }
0xa9: {  	[sflag:s22] =	ssyncadd.s32 s10;
	_ =	sdelay $0x1  }
0xaa: {  	s23 =	simm.s32 $0x1B8B  }
0xab: {  	_ =	swait.ge [sflag:s23], $0x1  }
0xac: {  	[sflag:s23] =	ssyncset.done $0x0  }
0xad: {  	s25 =	simm.s32 $0x1B8E;
	s24 =	sld [smem:$0x3FFE];
	[sflag:s23] =	ssyncadd.s32 $0xFFFFFFFF  }
0xae: {  	s26 =	simm.s32 $execute0_lowered;
	[smem:$0x3FD2] =	sst s25  }
0xaf: {  	s11 =	sshll.u32 s26, $0x1;
	_ =	strace $0x80000046;
	[dreg:$0x1] =	wrdreg $0xFFFFFFFF  }
0xb0: {  	s28 =	simm.s32 $_size_execute0_lowered;
	s9 =	sadd.s32 s9, s11;
	[dreg:$0x0] =	wrdreg $0x0  }
0xb1: {  	s11 =	sshll.u32 s28, $0x1;
	[dreg:$0x2] =	wrdreg s9  }
0xb2: {  	[dreg:$0x3] =	wrdreg s11  }
0xb3: {  	[dreg:$0x4] =	wrdreg $0xC0  }
0xb4: {  	_ =	task [dreg:s13], $0x5FFFF  }
0xb5: {  	[dreg:$0x1] =	wrdreg $0xFFFFFFFF  }
0xb6: {  	[dreg:$0x0] =	wrdreg $0x60  }
0xb7: {  	[dreg:$0x2] =	wrdreg s2  }
0xb8: {  	[dreg:$0x3] =	wrdreg s4  }
0xb9: {  	[dreg:$0x4] =	wrdreg s24  }
0xba: {  	[dreg:$0x5] =	wrdreg s5  }
0xbb: {  	[dreg:$0x6] =	wrdreg s6  }
0xbc: {  	[dreg:$0x7] =	wrdreg s16  }
0xbd: {  	[dreg:$0x8] =	wrdreg s17  }
0xbe: {  	[dreg:$0x9] =	wrdreg s18  }
0xbf: {  	[dreg:$0xa] =	wrdreg $0x9  }
0xc0: {  	_ =	task.clear_ibuf [dreg:s13], $0xBFFFF;
	_ =	strace $0x90000046  }
0xc1: {  	s29 =	simm.s32 $0x9;
	_ =	strace $0x80000048  }
0xc2: {  	_ =	swait.ge [sflag:s29], $0x1  }
0xc3: {  	[sflag:s29] =	ssyncadd.s32 $0xFFFFFFFF  }
0xc4: {  	_ =	strace $0x90000048  }
0xc5: {  	_ =	sfence  }
0xc6: {  	s30 =	sld [smem:$0x0];
	_ =	sdelay $0x2  }
0xc7: {  	s31 =	sshll.u32 s1, $0xD;
	s1 =	sshrl.u32 s1, $0x2  }
0xc8: {  	s3 =	sand.u32 $0x4000, s31;
	s1 =	sadd.s32 s1, s30  }
0xc9: {  	s0 =	sor.u32 s3, s0;
	s1 =	sshll.u32 s1, $0x11  }
0xca: {  	s0 =	sor.u32 s1, s0  }
0xcb: {  	s0 =	sadd.s32 $0x8F2B, s0  }
0xcc: {  	[sflag:s0] =	ssyncadd.remote.s32 $0x1  }
0xcd: {  	_ =	sfence.sel $0xFFFF  }
0xce: {  	[dreg:$0x0] =	wrdreg $0xFFFFFFFF;
	(pc) =	sbr.abs _section_cstart, $3  }
0xcf: {  	[dreg:$0x1] =	wrdreg $0xFFFFFFFF  }
0xd0: {  	_ =	task.clear_ibuf [dreg:s13], $0x2FFFF;
	_ =	strace $0x9FFFFFFF  }
0xd1: {  	(tm) =	ssettm $0x7FFFFFFF  }
tec
execute0_lowered:
.L_overlay_start_1:
0x0: {  	(tag) =	ssettag $0x1  }
0x1: {  	s0 =	rddreg [dreg:$0x0]  }
0x2: {  	s1 =	rddreg [dreg:$0x1]  }
0x3: {  	s4 =	rddreg [dreg:$0x2]  }
0x4: {  	s19 =	rddreg [dreg:$0x3]  }
0x5: {  	s3 =	rddreg [dreg:$0x4]  }
0x6: {  	s5 =	rddreg [dreg:$0x5]  }
0x7: {  	s6 =	rddreg [dreg:$0x6];
	s2 =	srdreg.scid  }
0x8: {  	s21 =	stileid.u32;
	s7 =	rddreg [dreg:$0x7]  }
0x9: {  	s8 =	sand.u32 $0x1, s2;
	s9 =	sshll.u32 s21, $0x1;
	s2 =	simm.s32 $0x0  }
0xa: {  	s9 =	sor.u32 s8, s9;
	[smem:$0x7FF] =	sst s2  }
0xb: {  	s13 =	ssub.s32 $0x2, s8;
	s8 =	simm.s32 $0x300;
	s10 =	sshll.u32 s9, $0x6  }
0xc: {  	_ =	strace $0x80000047;
	[smem:$0x7F2] =	sst s8;
	s0 =	sadd.s32 s0, s10  }
0xd: {  	s17 =	sshll.u32 s9, $0xD;
	s14 =	sadd.s32 s1, s10;
	[dreg:$0x9] =	wrdreg s0  }
0xe: {  	s20 =	sadd.s32 s5, s17;
	[dreg:$0xa] =	wrdreg s14  }
0xf: {  	s28 =	simm.s32 $0x200;
	s22 =	sadd.s32 s6, s17;
	[dreg:$0xc] =	wrdreg s20  }
0x10: {  	s1 =	sor.u32 $0x1000, s17;
	s17 =	simm.s32 $0x280;
	[dreg:$0xd] =	wrdreg s22  }
0x11: {  	s18 =	smul.u32 $0xA000, s9;
	s5 =	sadd.s32 s5, s1;
	[dreg:$0x19] =	wrdreg s17  }
0x12: {  	s29 =	simm.s32 $0xA;
	s6 =	sadd.s32 s6, s1;
	[dreg:$0x10] =	wrdreg s5  }
0x13: {  	s25 =	sadd.s32 s7, s18;
	s18 =	simm.s32 $0x480;
	[dreg:$0x11] =	wrdreg s6  }
0x14: {  	s30 =	simm.s32 $0xB;
	s20 =	simm.s32 $0x500;
	[dreg:$0x1a] =	wrdreg s18  }
0x15: {  	s11 =	smul.u32 $0x140, s9;
	s22 =	simm.s32 $0x580;
	[dreg:$0x1b] =	wrdreg s20  }
0x16: {  	s31 =	simm.s32 $0xC;
	s17 =	simm.s32 $0x980;
	[dreg:$0x1c] =	wrdreg s22  }
0x17: {  	s9 =	smul.u32 $0x50000, s9;
	s15 =	sadd.s32 s11, s4;
	[smem:$0x7F9] =	sst s17  }
0x18: {  	p0 =	por $0x0, $0x0;
	s16 =	sadd.s32 $0x800, s15;
	s0 =	rddreg [dreg:$0x9]  }
0x19: {  	s23 =	sshrl.u32 s9, $0x3;
	s24 =	sadd.s32 $0x1000, s25;
	[dreg:$0xb] =	wrdreg s16  }
0x1a: {  	s4 =	sadd.s32 s7, s23;
	s23 =	simm.s32 $0x600;
	[dreg:$0xe] =	wrdreg s24  }
0x1b: {  	s8 =	simm.s32 $0x8;
	s5 =	simm.s32 $0x100;
	[dreg:$0x1d] =	wrdreg s23  }
0x1c: {  	s15 =	sshrl.u32 s13, $0x1;
	s18 =	simm.s32 $0xA00;
	[dreg:$0x1f] =	wrdreg s5  }
0x1d: {  	s6 =	simm.s32 $0x80;
	s22 =	simm.s32 $0xA80;
	[smem:$0x7FA] =	sst s18  }
0x1e: {  	s20 =	simm.s32 $0x14E00;
	s26 =	sadd.s32 $0x2000, s4;
	[smem:$0x7FB] =	sst s22  }
0x1f: {  	s17 =	simm.s32 $0x5;
	s7 =	sadd.s32 $0x3000, s4;
	[dreg:$0xf] =	wrdreg s26  }
0x20: {  	s9 =	sadd.s32 $0x4000, s4;
	s10 =	sadd.s32 $0x5000, s4;
	[dreg:$0x12] =	wrdreg s7  }
0x21: {  	s11 =	sadd.s32 $0x6000, s4;
	s12 =	sadd.s32 $0x7000, s4;
	[dreg:$0x13] =	wrdreg s9  }
0x22: {  	s14 =	sadd.s32 $0x8000, s4;
	s16 =	sadd.s32 $0x9000, s4;
	[dreg:$0x14] =	wrdreg s10  }
0x23: {  	s1 =	ssub.s32 s13, s15;
	s24 =	simm.s32 $0x680;
	[dreg:$0x15] =	wrdreg s11  }
0x24: {  	s4 =	simm.s32 $0xE00;
	s5 =	simm.s32 $0x8E00;
	[dreg:$0x16] =	wrdreg s12  }
0x25: {  	s13 =	simm.s32 $0x800;
	s15 =	simm.s32 $0x900;
	[dreg:$0x17] =	wrdreg s14  }
0x26: {  	s23 =	simm.s32 $0xB00;
	s18 =	simm.s32 $0x6;
	[dreg:$0x18] =	wrdreg s16  }
0x27: {  	s22 =	simm.s32 $0xD00;
	s1 =	smax.u32 s1, $0x1;
	[dreg:$0x1e] =	wrdreg s24  }
0x28: {  	s26 =	simm.s32 $0x400;
	s16 =	simm.s32 $0x4E00;
	[smem:$0x7F6] =	sst s13  }
0x29: {  	s7 =	simm.s32 $0x180;
	s9 =	simm.s32 $0x380;
	[smem:$0x7F8] =	sst s15  }
0x2a: {  	s10 =	simm.s32 $0xCE00;
	s11 =	simm.s32 $0x700;
	[smem:$0x7FC] =	sst s23  }
0x2b: {  	s12 =	simm.s32 $0x780;
	s14 =	simm.s32 $0x880;
	[smem:$0x7F1] =	sst s7  }
0x2c: {  	s13 =	simm.s32 $0x4;
	[smem:$0x7F3] =	sst s9;
	p1 =	sne.s32 s1, $0x1  }
.Ltmp0:
0x2d: {  	s24 =	simm.s32 $0xB80;
	[smem:$0x7F4] =	sst s11;
	(pc) =	sbr.rel @!p1 .LBB2_1-.Ltmp0, $4  }
0x2e: {  	s15 =	simm.s32 $0x9;
	s23 =	simm.s32 $0xD80;
	[smem:$0x7F5] =	sst s12  }
0x2f: {  	s9 =	simm.s32 $0x10E00;
	s12 =	simm.s32 $0x1;
	[smem:$0x7F7] =	sst s14  }
0x30: {  	s11 =	simm.s32 $0x2;
	s7 =	simm.s32 $0x7;
	s14 =	simm.s32 $0x3  }
0x31: {  	[smem:$0x7FD] =	sst s24;
	s1 =	sadd.s32 $0xFFFFFFFF, s1;
	s24 =	simm.s32 $0xC80  }
0x32: {  	[tilespmem:s2], [sflag:$0xA] =	stream.linear.gather [hbm4b:s0+s2], $0x200, $0x38;
	[tilespmem:$0x18E00] =	vst v63  }
0x33: {  	s21 =	smov.u32 s1;
	s1 =	rddreg [dreg:$0xa]  }
0x34: {  	[tilespmem:s28], [sflag:$0xB] =	stream.linear.gather [hbm4b:s1+s2], $0x200, $0x38;
	[tilespmem:$0x18E00] =	vst v63  }
0x35: {  	s0 =	rddreg [dreg:$0xb]  }
0x36: {  	[tilespmem:s26], [sflag:$0xC] =	stream.linear.gather [hbm4b:s0+s2], $0xA00, $0x38;
	[tilespmem:$0x18E00] =	vst v63  }
0x37: {  	_ =	swait.ge [sflag:s29], $0x200  }
0x38: {  	[sflag:s29] =	ssyncset.done $0x0  }
0x39: {  	[sflag:s29] =	ssyncadd.s32 $0xFFFFFE00  }
0x3a: {  	[tilespmem:s4], [sflag:$0x1] =	stream.indirect.gather [hbm4b:s19+s6], $0x80, s2, s6, $0xb8;
	[tilespmem:$0x18E00] =	vst v63  }
0x3b: {  	_ = 	snop  }
0x3c: {  	[tilespmem:s16], [sflag:$0x2] =	stream.indirect.gather [hbm4b:s19+s6], $0x80, s6, s6, $0xb8;
	[tilespmem:$0x18E00] =	vst v63  }
0x3d: {  	_ =	swait.ge [sflag:s30], $0x200  }
0x3e: {  	[sflag:s30] =	ssyncset.done $0x0  }
0x3f: {  	[sflag:s30] =	ssyncadd.s32 $0xFFFFFE00  }
0x40: {  	[tilespmem:s5], [sflag:$0x3] =	stream.indirect.gather [hbm4b:s3+s6], $0x80, s28, s6, $0xb8;
	[tilespmem:$0x18E00] =	vst v63  }
0x41: {  	s1 =	rddreg [dreg:$0x19]  }
0x42: {  	[tilespmem:s10], [sflag:$0x4] =	stream.indirect.gather [hbm4b:s3+s6], $0x80, s1, s6, $0xb8;
	[tilespmem:$0x18E00] =	vst v63  }
0x43: {  	_ =	swait.ge [sflag:s31], $0xA00  }
0x44: {  	[sflag:s31] =	ssyncset.done $0x0  }
0x45: {  	[sflag:s31] =	ssyncadd.s32 $0xFFFFF600  }
0x46: {  	[tilespmem:s9], [sflag:$0x5] =	stream.indirect.gather [hbm4b:s3+s6], $0x80, s26, s6, $0xb8;
	[tilespmem:$0x18E00] =	vst v63  }
0x47: {  	s1 =	rddreg [dreg:$0x1a]  }
0x48: {  	[tilespmem:s20], [sflag:$0x6] =	stream.indirect.gather [hbm4b:s3+s6], $0x80, s1, s6, $0xb8;
	[tilespmem:$0x18E00] =	vst v63  }
0x49: {  	_ =	swait.ge [sflag:s12], $0x4000  }
0x4a: {  	[sflag:s12] =	ssyncset.done $0x0  }
0x4b: {  	[sflag:s12] =	ssyncadd.s32 $0xFFFFC000  }
0x4c: {  	_ =	swait.ge [sflag:s11], $0x4000  }
0x4d: {  	[sflag:s11] =	ssyncset.done $0x0  }
0x4e: {  	s1 =	rddreg [dreg:$0xc];
	[sflag:s11] =	ssyncadd.s32 $0xFFFFC000  }
0x4f: {  	[hbm4b:s1+s2] =	stream.linear.scatter [tilespmem:s4], [sflag:$0x7], $0x8000, $0x38;
	[tilespmem:$0x18E00] =	vst v63  }
0x50: {  	_ =	swait.ge [sflag:s7], $0x8000  }
0x51: {  	[sflag:s7] =	ssyncset.done $0x0  }
0x52: {  	s0 =	rddreg [dreg:$0x1b];
	[sflag:s7] =	ssyncadd.s32 $0xFFFF8000  }
0x53: {  	[tilespmem:s4], [sflag:$0x1] =	stream.indirect.gather [hbm4b:s3+s6], $0x80, s0, s6, $0xb8;
	[tilespmem:$0x18E00] =	vst v63  }
0x54: {  	s1 =	rddreg [dreg:$0x1c]  }
0x55: {  	[tilespmem:s16], [sflag:$0x2] =	stream.indirect.gather [hbm4b:s3+s6], $0x80, s1, s6, $0xb8;
	[tilespmem:$0x18E00] =	vst v63  }
0x56: {  	_ =	swait.ge [sflag:s14], $0x4000  }
0x57: {  	[sflag:s14] =	ssyncset.done $0x0  }
0x58: {  	[sflag:s14] =	ssyncadd.s32 $0xFFFFC000  }
0x59: {  	_ =	swait.ge [sflag:s13], $0x4000  }
0x5a: {  	[sflag:s13] =	ssyncset.done $0x0  }
0x5b: {  	s1 =	rddreg [dreg:$0xd];
	[sflag:s13] =	ssyncadd.s32 $0xFFFFC000  }
0x5c: {  	[hbm4b:s1+s2] =	stream.linear.scatter [tilespmem:s5], [sflag:$0x8], $0x8000, $0x38;
	[tilespmem:$0x18E00] =	vst v63  }
0x5d: {  	_ =	swait.ge [sflag:s8], $0x8000  }
0x5e: {  	[sflag:s8] =	ssyncset.done $0x0  }
0x5f: {  	s0 =	rddreg [dreg:$0x1d];
	[sflag:s8] =	ssyncadd.s32 $0xFFFF8000  }
0x60: {  	[tilespmem:s5], [sflag:$0x3] =	stream.indirect.gather [hbm4b:s3+s6], $0x80, s0, s6, $0xb8;
	[tilespmem:$0x18E00] =	vst v63  }
0x61: {  	s1 =	rddreg [dreg:$0x1e]  }
0x62: {  	[tilespmem:s10], [sflag:$0x4] =	stream.indirect.gather [hbm4b:s3+s6], $0x80, s1, s6, $0xb8;
	[tilespmem:$0x18E00] =	vst v63  }
0x63: {  	_ =	swait.ge [sflag:s17], $0x4000  }
0x64: {  	[sflag:s17] =	ssyncset.done $0x0  }
0x65: {  	[sflag:s17] =	ssyncadd.s32 $0xFFFFC000  }
0x66: {  	_ =	swait.ge [sflag:s18], $0x4000  }
0x67: {  	[sflag:s18] =	ssyncset.done $0x0  }
0x68: {  	[sflag:s18] =	ssyncadd.s32 $0xFFFFC000  }
0x69: {  	[hbm4b:s25+s2] =	stream.linear.scatter [tilespmem:s9], [sflag:$0x9], $0x8000, $0x38;
	[tilespmem:$0x18E00] =	vst v63  }
0x6a: {  	_ =	swait.ge [sflag:s15], $0x8000  }
0x6b: {  	s0 =	rddreg [dreg:$0x1f];
	[sflag:s15] =	ssyncset.done $0x0  }
0x6c: {  	s1 =	sld [smem:$0x7F1];
	[sflag:s15] =	ssyncadd.s32 $0xFFFF8000  }
0x6d: {  	[tilespmem:s9], [sflag:$0x5] =	stream.indirect.gather [hbm4b:s19+s6], $0x80, s0, s6, $0xb8;
	[tilespmem:$0x18E00] =	vst v63  }
0x6e: {  	_ = 	snop  }
0x6f: {  	[tilespmem:s20], [sflag:$0x6] =	stream.indirect.gather [hbm4b:s19+s6], $0x80, s1, s6, $0xb8;
	[tilespmem:$0x18E00] =	vst v63  }
0x70: {  	_ =	swait.ge [sflag:s12], $0x4000  }
0x71: {  	[sflag:s12] =	ssyncset.done $0x0  }
0x72: {  	[sflag:s12] =	ssyncadd.s32 $0xFFFFC000  }
0x73: {  	_ =	swait.ge [sflag:s11], $0x4000  }
0x74: {  	[sflag:s11] =	ssyncset.done $0x0  }
0x75: {  	s1 =	rddreg [dreg:$0xe];
	[sflag:s11] =	ssyncadd.s32 $0xFFFFC000  }
0x76: {  	[hbm4b:s1+s2] =	stream.linear.scatter [tilespmem:s4], [sflag:$0x7], $0x8000, $0x38;
	[tilespmem:$0x18E00] =	vst v63  }
0x77: {  	_ =	swait.ge [sflag:s7], $0x8000  }
0x78: {  	s0 =	sld [smem:$0x7F2]  }
0x79: {  	[sflag:s7] =	ssyncset.done $0x0  }
0x7a: {  	s1 =	sld [smem:$0x7F3];
	[sflag:s7] =	ssyncadd.s32 $0xFFFF8000  }
0x7b: {  	[tilespmem:s4], [sflag:$0x1] =	stream.indirect.gather [hbm4b:s3+s6], $0x80, s0, s6, $0xb8;
	[tilespmem:$0x18E00] =	vst v63  }
0x7c: {  	_ = 	snop  }
0x7d: {  	[tilespmem:s16], [sflag:$0x2] =	stream.indirect.gather [hbm4b:s3+s6], $0x80, s1, s6, $0xb8;
	[tilespmem:$0x18E00] =	vst v63  }
0x7e: {  	_ =	swait.ge [sflag:s14], $0x4000  }
0x7f: {  	[sflag:s14] =	ssyncset.done $0x0  }
0x80: {  	[sflag:s14] =	ssyncadd.s32 $0xFFFFC000  }
0x81: {  	_ =	swait.ge [sflag:s13], $0x4000  }
0x82: {  	[sflag:s13] =	ssyncset.done $0x0  }
0x83: {  	s1 =	rddreg [dreg:$0xf];
	[sflag:s13] =	ssyncadd.s32 $0xFFFFC000  }
0x84: {  	[hbm4b:s1+s2] =	stream.linear.scatter [tilespmem:s5], [sflag:$0x8], $0x8000, $0x38;
	[tilespmem:$0x18E00] =	vst v63  }
0x85: {  	_ =	swait.ge [sflag:s8], $0x8000  }
0x86: {  	s0 =	sld [smem:$0x7F4]  }
0x87: {  	[sflag:s8] =	ssyncset.done $0x0  }
0x88: {  	s1 =	sld [smem:$0x7F5];
	[sflag:s8] =	ssyncadd.s32 $0xFFFF8000  }
0x89: {  	[tilespmem:s5], [sflag:$0x3] =	stream.indirect.gather [hbm4b:s3+s6], $0x80, s0, s6, $0xb8;
	[tilespmem:$0x18E00] =	vst v63  }
0x8a: {  	_ = 	snop  }
0x8b: {  	[tilespmem:s10], [sflag:$0x4] =	stream.indirect.gather [hbm4b:s3+s6], $0x80, s1, s6, $0xb8;
	[tilespmem:$0x18E00] =	vst v63  }
0x8c: {  	_ =	swait.ge [sflag:s17], $0x4000  }
0x8d: {  	[sflag:s17] =	ssyncset.done $0x0  }
0x8e: {  	[sflag:s17] =	ssyncadd.s32 $0xFFFFC000  }
0x8f: {  	_ =	swait.ge [sflag:s18], $0x4000  }
0x90: {  	[sflag:s18] =	ssyncset.done $0x0  }
0x91: {  	s1 =	rddreg [dreg:$0x10];
	[sflag:s18] =	ssyncadd.s32 $0xFFFFC000  }
0x92: {  	[hbm4b:s1+s2] =	stream.linear.scatter [tilespmem:s9], [sflag:$0x9], $0x8000, $0x38;
	[tilespmem:$0x18E00] =	vst v63  }
0x93: {  	_ =	swait.ge [sflag:s15], $0x8000  }
0x94: {  	s0 =	sld [smem:$0x7F6]  }
0x95: {  	[sflag:s15] =	ssyncset.done $0x0  }
0x96: {  	s1 =	sld [smem:$0x7F7];
	[sflag:s15] =	ssyncadd.s32 $0xFFFF8000  }
0x97: {  	[tilespmem:s9], [sflag:$0x5] =	stream.indirect.gather [hbm4b:s3+s6], $0x80, s0, s6, $0xb8;
	[tilespmem:$0x18E00] =	vst v63  }
0x98: {  	_ = 	snop  }
0x99: {  	[tilespmem:s20], [sflag:$0x6] =	stream.indirect.gather [hbm4b:s3+s6], $0x80, s1, s6, $0xb8;
	[tilespmem:$0x18E00] =	vst v63  }
0x9a: {  	_ =	swait.ge [sflag:s12], $0x4000  }
0x9b: {  	[sflag:s12] =	ssyncset.done $0x0  }
0x9c: {  	[sflag:s12] =	ssyncadd.s32 $0xFFFFC000  }
0x9d: {  	_ =	swait.ge [sflag:s11], $0x4000  }
0x9e: {  	[sflag:s11] =	ssyncset.done $0x0  }
0x9f: {  	s1 =	rddreg [dreg:$0x11];
	[sflag:s11] =	ssyncadd.s32 $0xFFFFC000  }
0xa0: {  	[hbm4b:s1+s2] =	stream.linear.scatter [tilespmem:s4], [sflag:$0x7], $0x8000, $0x38;
	[tilespmem:$0x18E00] =	vst v63  }
0xa1: {  	_ =	swait.ge [sflag:s7], $0x8000  }
0xa2: {  	s0 =	sld [smem:$0x7F8]  }
0xa3: {  	[sflag:s7] =	ssyncset.done $0x0  }
0xa4: {  	s1 =	sld [smem:$0x7F9];
	[sflag:s7] =	ssyncadd.s32 $0xFFFF8000  }
0xa5: {  	[tilespmem:s4], [sflag:$0x1] =	stream.indirect.gather [hbm4b:s3+s6], $0x80, s0, s6, $0xb8;
	[tilespmem:$0x18E00] =	vst v63  }
0xa6: {  	_ = 	snop  }
0xa7: {  	[tilespmem:s16], [sflag:$0x2] =	stream.indirect.gather [hbm4b:s3+s6], $0x80, s1, s6, $0xb8;
	[tilespmem:$0x18E00] =	vst v63  }
0xa8: {  	_ =	swait.ge [sflag:s14], $0x4000  }
0xa9: {  	[sflag:s14] =	ssyncset.done $0x0  }
0xaa: {  	[sflag:s14] =	ssyncadd.s32 $0xFFFFC000  }
0xab: {  	_ =	swait.ge [sflag:s13], $0x4000  }
0xac: {  	[sflag:s13] =	ssyncset.done $0x0  }
0xad: {  	s1 =	rddreg [dreg:$0x12];
	[sflag:s13] =	ssyncadd.s32 $0xFFFFC000  }
0xae: {  	[hbm4b:s1+s2] =	stream.linear.scatter [tilespmem:s5], [sflag:$0x8], $0x8000, $0x38;
	[tilespmem:$0x18E00] =	vst v63  }
0xaf: {  	_ =	swait.ge [sflag:s8], $0x8000  }
0xb0: {  	s0 =	sld [smem:$0x7FA]  }
0xb1: {  	[sflag:s8] =	ssyncset.done $0x0  }
0xb2: {  	s1 =	sld [smem:$0x7FB];
	[sflag:s8] =	ssyncadd.s32 $0xFFFF8000  }
0xb3: {  	[tilespmem:s5], [sflag:$0x3] =	stream.indirect.gather [hbm4b:s3+s6], $0x80, s0, s6, $0xb8;
	[tilespmem:$0x18E00] =	vst v63  }
0xb4: {  	_ = 	snop  }
0xb5: {  	[tilespmem:s10], [sflag:$0x4] =	stream.indirect.gather [hbm4b:s3+s6], $0x80, s1, s6, $0xb8;
	[tilespmem:$0x18E00] =	vst v63  }
0xb6: {  	_ =	swait.ge [sflag:s17], $0x4000  }
0xb7: {  	[sflag:s17] =	ssyncset.done $0x0  }
0xb8: {  	[sflag:s17] =	ssyncadd.s32 $0xFFFFC000  }
0xb9: {  	_ =	swait.ge [sflag:s18], $0x4000  }
0xba: {  	[sflag:s18] =	ssyncset.done $0x0  }
0xbb: {  	s1 =	rddreg [dreg:$0x13];
	[sflag:s18] =	ssyncadd.s32 $0xFFFFC000  }
0xbc: {  	[hbm4b:s1+s2] =	stream.linear.scatter [tilespmem:s9], [sflag:$0x9], $0x8000, $0x38;
	[tilespmem:$0x18E00] =	vst v63  }
0xbd: {  	_ =	swait.ge [sflag:s15], $0x8000  }
0xbe: {  	s0 =	sld [smem:$0x7FC]  }
0xbf: {  	[sflag:s15] =	ssyncset.done $0x0  }
0xc0: {  	s1 =	sld [smem:$0x7FD];
	[sflag:s15] =	ssyncadd.s32 $0xFFFF8000  }
0xc1: {  	[tilespmem:s9], [sflag:$0x5] =	stream.indirect.gather [hbm4b:s3+s6], $0x80, s0, s6, $0xb8;
	[tilespmem:$0x18E00] =	vst v63  }
0xc2: {  	_ = 	snop  }
0xc3: {  	[tilespmem:s20], [sflag:$0x6] =	stream.indirect.gather [hbm4b:s3+s6], $0x80, s1, s6, $0xb8;
	[tilespmem:$0x18E00] =	vst v63  }
0xc4: {  	_ =	swait.ge [sflag:s12], $0x4000  }
0xc5: {  	[sflag:s12] =	ssyncset.done $0x0  }
0xc6: {  	[sflag:s12] =	ssyncadd.s32 $0xFFFFC000  }
0xc7: {  	_ =	swait.ge [sflag:s11], $0x4000  }
0xc8: {  	[sflag:s11] =	ssyncset.done $0x0  }
0xc9: {  	s1 =	rddreg [dreg:$0x14];
	[sflag:s11] =	ssyncadd.s32 $0xFFFFC000  }
0xca: {  	[hbm4b:s1+s2] =	stream.linear.scatter [tilespmem:s4], [sflag:$0x7], $0x8000, $0x38;
	[tilespmem:$0x18E00] =	vst v63  }
0xcb: {  	_ =	swait.ge [sflag:s7], $0x8000  }
0xcc: {  	[sflag:s7] =	ssyncset.done $0x0  }
0xcd: {  	s1 =	simm.s32 $0xC00;
	[sflag:s7] =	ssyncadd.s32 $0xFFFF8000  }
0xce: {  	[tilespmem:s4], [sflag:$0x1] =	stream.indirect.gather [hbm4b:s3+s6], $0x80, s1, s6, $0xb8;
	[tilespmem:$0x18E00] =	vst v63  }
0xcf: {  	_ = 	snop  }
0xd0: {  	[tilespmem:s16], [sflag:$0x2] =	stream.indirect.gather [hbm4b:s3+s6], $0x80, s24, s6, $0xb8;
	[tilespmem:$0x18E00] =	vst v63  }
0xd1: {  	_ =	swait.ge [sflag:s14], $0x4000  }
0xd2: {  	[sflag:s14] =	ssyncset.done $0x0  }
0xd3: {  	[sflag:s14] =	ssyncadd.s32 $0xFFFFC000  }
0xd4: {  	_ =	swait.ge [sflag:s13], $0x4000  }
0xd5: {  	[sflag:s13] =	ssyncset.done $0x0  }
0xd6: {  	s1 =	rddreg [dreg:$0x15];
	[sflag:s13] =	ssyncadd.s32 $0xFFFFC000  }
0xd7: {  	[hbm4b:s1+s2] =	stream.linear.scatter [tilespmem:s5], [sflag:$0x8], $0x8000, $0x38;
	[tilespmem:$0x18E00] =	vst v63  }
0xd8: {  	_ =	swait.ge [sflag:s8], $0x8000  }
0xd9: {  	[sflag:s8] =	ssyncset.done $0x0  }
0xda: {  	[sflag:s8] =	ssyncadd.s32 $0xFFFF8000  }
0xdb: {  	[tilespmem:s5], [sflag:$0x3] =	stream.indirect.gather [hbm4b:s3+s6], $0x80, s22, s6, $0xb8;
	[tilespmem:$0x18E00] =	vst v63  }
0xdc: {  	_ = 	snop  }
0xdd: {  	[tilespmem:s10], [sflag:$0x4] =	stream.indirect.gather [hbm4b:s3+s6], $0x80, s23, s6, $0xb8;
	[tilespmem:$0x18E00] =	vst v63  }
0xde: {  	_ =	swait.ge [sflag:s17], $0x4000  }
0xdf: {  	[sflag:s17] =	ssyncset.done $0x0  }
0xe0: {  	[sflag:s17] =	ssyncadd.s32 $0xFFFFC000  }
0xe1: {  	_ =	swait.ge [sflag:s18], $0x4000  }
0xe2: {  	[sflag:s18] =	ssyncset.done $0x0  }
0xe3: {  	s1 =	rddreg [dreg:$0x16];
	[sflag:s18] =	ssyncadd.s32 $0xFFFFC000  }
0xe4: {  	[hbm4b:s1+s2] =	stream.linear.scatter [tilespmem:s9], [sflag:$0x9], $0x8000, $0x38;
	[tilespmem:$0x18E00] =	vst v63  }
0xe5: {  	_ =	swait.ge [sflag:s12], $0x4000  }
0xe6: {  	[sflag:s12] =	ssyncset.done $0x0  }
0xe7: {  	[sflag:s12] =	ssyncadd.s32 $0xFFFFC000  }
0xe8: {  	_ =	swait.ge [sflag:s11], $0x4000  }
0xe9: {  	[sflag:s11] =	ssyncset.done $0x0  }
0xea: {  	s1 =	rddreg [dreg:$0x17];
	[sflag:s11] =	ssyncadd.s32 $0xFFFFC000  }
0xeb: {  	[hbm4b:s1+s2] =	stream.linear.scatter [tilespmem:s4], [sflag:$0x7], $0x8000, $0x38;
	[tilespmem:$0x18E00] =	vst v63  }
0xec: {  	_ =	swait.ge [sflag:s14], $0x4000  }
0xed: {  	[sflag:s14] =	ssyncset.done $0x0  }
0xee: {  	[sflag:s14] =	ssyncadd.s32 $0xFFFFC000  }
0xef: {  	_ =	swait.ge [sflag:s13], $0x4000  }
0xf0: {  	[sflag:s13] =	ssyncset.done $0x0  }
0xf1: {  	s1 =	rddreg [dreg:$0x18];
	[sflag:s13] =	ssyncadd.s32 $0xFFFFC000  }
0xf2: {  	[hbm4b:s1+s2] =	stream.linear.scatter [tilespmem:s5], [sflag:$0x8], $0x8000, $0x38;
	[tilespmem:$0x18E00] =	vst v63  }
0xf3: {  	_ =	swait.ge [sflag:s7], $0x8000  }
0xf4: {  	[sflag:s7] =	ssyncset.done $0x0  }
0xf5: {  	p1 =	sne.s32 s21, $0x1;
	[sflag:s7] =	ssyncadd.s32 $0xFFFF8000  }
.Ltmp1:
0xf6: {  	_ =	swait.ge [sflag:s8], $0x8000;
	(pc) =	sbr.rel @!p1 .LBB2_3-.Ltmp1, $4  }
0xf7: {  	[sflag:s8] =	ssyncset.done $0x0  }
0xf8: {  	[sflag:s8] =	ssyncadd.s32 $0xFFFF8000  }
0xf9: {  	p0 =	por $0x1, $0x1;
	_ =	swait.ge [sflag:s15], $0x8000  }
0xfa: {  	s1 =	sadd.s32 $0xFFFFFFFF, s21;
	s0 =	rddreg [dreg:$0x9];
	[sflag:s15] =	ssyncset.done $0x0  }
.LBB2_4:
0xfb: {  	[sflag:s15] =	ssyncadd.s32 $0xFFFF8000  }
0xfc: {  	[tilespmem:s2], [sflag:$0xA] =	stream.linear.gather [hbm4b:s0+s2], $0x200, $0x38;
	[tilespmem:$0x18E00] =	vst v63  }
0xfd: {  	s21 =	rddreg [dreg:$0xa]  }
0xfe: {  	[tilespmem:s28], [sflag:$0xB] =	stream.linear.gather [hbm4b:s21+s2], $0x200, $0x38;
	[tilespmem:$0x18E00] =	vst v63  }
0xff: {  	s0 =	rddreg [dreg:$0xb]  }
0x100: {  	[tilespmem:s26], [sflag:$0xC] =	stream.linear.gather [hbm4b:s0+s2], $0xA00, $0x38;
	[tilespmem:$0x18E00] =	vst v63  }
0x101: {  	_ =	swait.ge [sflag:s29], $0x200  }
0x102: {  	[sflag:s29] =	ssyncset.done $0x0  }
0x103: {  	[sflag:s29] =	ssyncadd.s32 $0xFFFFFE00  }
0x104: {  	[tilespmem:s4], [sflag:$0x1] =	stream.indirect.gather [hbm4b:s19+s6], $0x80, s2, s6, $0xb8;
	[tilespmem:$0x18E00] =	vst v63  }
0x105: {  	_ = 	snop  }
0x106: {  	[tilespmem:s16], [sflag:$0x2] =	stream.indirect.gather [hbm4b:s19+s6], $0x80, s6, s6, $0xb8;
	[tilespmem:$0x18E00] =	vst v63  }
0x107: {  	_ =	swait.ge [sflag:s30], $0x200  }
0x108: {  	[sflag:s30] =	ssyncset.done $0x0  }
0x109: {  	[sflag:s30] =	ssyncadd.s32 $0xFFFFFE00  }
0x10a: {  	[tilespmem:s5], [sflag:$0x3] =	stream.indirect.gather [hbm4b:s3+s6], $0x80, s28, s6, $0xb8;
	[tilespmem:$0x18E00] =	vst v63  }
0x10b: {  	s21 =	rddreg [dreg:$0x19]  }
0x10c: {  	[tilespmem:s10], [sflag:$0x4] =	stream.indirect.gather [hbm4b:s3+s6], $0x80, s21, s6, $0xb8;
	[tilespmem:$0x18E00] =	vst v63  }
0x10d: {  	_ =	swait.ge [sflag:s31], $0xA00  }
0x10e: {  	[sflag:s31] =	ssyncset.done $0x0  }
0x10f: {  	[sflag:s31] =	ssyncadd.s32 $0xFFFFF600  }
0x110: {  	[tilespmem:s9], [sflag:$0x5] =	stream.indirect.gather [hbm4b:s3+s6], $0x80, s26, s6, $0xb8;
	[tilespmem:$0x18E00] =	vst v63  }
0x111: {  	s21 =	rddreg [dreg:$0x1a]  }
0x112: {  	[tilespmem:s20], [sflag:$0x6] =	stream.indirect.gather [hbm4b:s3+s6], $0x80, s21, s6, $0xb8;
	[tilespmem:$0x18E00] =	vst v63  }
0x113: {  	_ =	swait.ge [sflag:s12], $0x4000  }
0x114: {  	[sflag:s12] =	ssyncset.done $0x0  }
0x115: {  	[sflag:s12] =	ssyncadd.s32 $0xFFFFC000  }
0x116: {  	_ =	swait.ge [sflag:s11], $0x4000  }
0x117: {  	[sflag:s11] =	ssyncset.done $0x0  }
0x118: {  	s21 =	rddreg [dreg:$0xc];
	[sflag:s11] =	ssyncadd.s32 $0xFFFFC000  }
0x119: {  	[hbm4b:s21+s2] =	stream.linear.scatter [tilespmem:s4], [sflag:$0x7], $0x8000, $0x38;
	[tilespmem:$0x18E00] =	vst v63  }
0x11a: {  	_ =	swait.ge [sflag:s7], $0x8000  }
0x11b: {  	[sflag:s7] =	ssyncset.done $0x0  }
0x11c: {  	s0 =	rddreg [dreg:$0x1b];
	[sflag:s7] =	ssyncadd.s32 $0xFFFF8000  }
0x11d: {  	[tilespmem:s4], [sflag:$0x1] =	stream.indirect.gather [hbm4b:s3+s6], $0x80, s0, s6, $0xb8;
	[tilespmem:$0x18E00] =	vst v63  }
0x11e: {  	s21 =	rddreg [dreg:$0x1c]  }
0x11f: {  	[tilespmem:s16], [sflag:$0x2] =	stream.indirect.gather [hbm4b:s3+s6], $0x80, s21, s6, $0xb8;
	[tilespmem:$0x18E00] =	vst v63  }
0x120: {  	_ =	swait.ge [sflag:s14], $0x4000  }
0x121: {  	[sflag:s14] =	ssyncset.done $0x0  }
0x122: {  	[sflag:s14] =	ssyncadd.s32 $0xFFFFC000  }
0x123: {  	_ =	swait.ge [sflag:s13], $0x4000  }
0x124: {  	[sflag:s13] =	ssyncset.done $0x0  }
0x125: {  	s21 =	rddreg [dreg:$0xd];
	[sflag:s13] =	ssyncadd.s32 $0xFFFFC000  }
0x126: {  	[hbm4b:s21+s2] =	stream.linear.scatter [tilespmem:s5], [sflag:$0x8], $0x8000, $0x38;
	[tilespmem:$0x18E00] =	vst v63  }
0x127: {  	_ =	swait.ge [sflag:s8], $0x8000  }
0x128: {  	[sflag:s8] =	ssyncset.done $0x0  }
0x129: {  	s0 =	rddreg [dreg:$0x1d];
	[sflag:s8] =	ssyncadd.s32 $0xFFFF8000  }
0x12a: {  	[tilespmem:s5], [sflag:$0x3] =	stream.indirect.gather [hbm4b:s3+s6], $0x80, s0, s6, $0xb8;
	[tilespmem:$0x18E00] =	vst v63  }
0x12b: {  	s21 =	rddreg [dreg:$0x1e]  }
0x12c: {  	[tilespmem:s10], [sflag:$0x4] =	stream.indirect.gather [hbm4b:s3+s6], $0x80, s21, s6, $0xb8;
	[tilespmem:$0x18E00] =	vst v63  }
0x12d: {  	_ =	swait.ge [sflag:s17], $0x4000  }
0x12e: {  	[sflag:s17] =	ssyncset.done $0x0  }
0x12f: {  	[sflag:s17] =	ssyncadd.s32 $0xFFFFC000  }
0x130: {  	_ =	swait.ge [sflag:s18], $0x4000  }
0x131: {  	[sflag:s18] =	ssyncset.done $0x0  }
0x132: {  	[sflag:s18] =	ssyncadd.s32 $0xFFFFC000  }
0x133: {  	[hbm4b:s25+s2] =	stream.linear.scatter [tilespmem:s9], [sflag:$0x9], $0x8000, $0x38;
	[tilespmem:$0x18E00] =	vst v63  }
0x134: {  	_ =	swait.ge [sflag:s15], $0x8000  }
0x135: {  	s0 =	rddreg [dreg:$0x1f];
	[sflag:s15] =	ssyncset.done $0x0  }
0x136: {  	s21 =	sld [smem:$0x7F1];
	[sflag:s15] =	ssyncadd.s32 $0xFFFF8000  }
0x137: {  	[tilespmem:s9], [sflag:$0x5] =	stream.indirect.gather [hbm4b:s19+s6], $0x80, s0, s6, $0xb8;
	[tilespmem:$0x18E00] =	vst v63  }
0x138: {  	_ = 	snop  }
0x139: {  	[tilespmem:s20], [sflag:$0x6] =	stream.indirect.gather [hbm4b:s19+s6], $0x80, s21, s6, $0xb8;
	[tilespmem:$0x18E00] =	vst v63  }
0x13a: {  	_ =	swait.ge [sflag:s12], $0x4000  }
0x13b: {  	[sflag:s12] =	ssyncset.done $0x0  }
0x13c: {  	[sflag:s12] =	ssyncadd.s32 $0xFFFFC000  }
0x13d: {  	_ =	swait.ge [sflag:s11], $0x4000  }
0x13e: {  	[sflag:s11] =	ssyncset.done $0x0  }
0x13f: {  	s21 =	rddreg [dreg:$0xe];
	[sflag:s11] =	ssyncadd.s32 $0xFFFFC000  }
0x140: {  	[hbm4b:s21+s2] =	stream.linear.scatter [tilespmem:s4], [sflag:$0x7], $0x8000, $0x38;
	[tilespmem:$0x18E00] =	vst v63  }
0x141: {  	_ =	swait.ge [sflag:s7], $0x8000  }
0x142: {  	s0 =	sld [smem:$0x7F2]  }
0x143: {  	[sflag:s7] =	ssyncset.done $0x0  }
0x144: {  	s21 =	sld [smem:$0x7F3];
	[sflag:s7] =	ssyncadd.s32 $0xFFFF8000  }
0x145: {  	[tilespmem:s4], [sflag:$0x1] =	stream.indirect.gather [hbm4b:s3+s6], $0x80, s0, s6, $0xb8;
	[tilespmem:$0x18E00] =	vst v63  }
0x146: {  	_ = 	snop  }
0x147: {  	[tilespmem:s16], [sflag:$0x2] =	stream.indirect.gather [hbm4b:s3+s6], $0x80, s21, s6, $0xb8;
	[tilespmem:$0x18E00] =	vst v63  }
0x148: {  	_ =	swait.ge [sflag:s14], $0x4000  }
0x149: {  	[sflag:s14] =	ssyncset.done $0x0  }
0x14a: {  	[sflag:s14] =	ssyncadd.s32 $0xFFFFC000  }
0x14b: {  	_ =	swait.ge [sflag:s13], $0x4000  }
0x14c: {  	[sflag:s13] =	ssyncset.done $0x0  }
0x14d: {  	s21 =	rddreg [dreg:$0xf];
	[sflag:s13] =	ssyncadd.s32 $0xFFFFC000  }
0x14e: {  	[hbm4b:s21+s2] =	stream.linear.scatter [tilespmem:s5], [sflag:$0x8], $0x8000, $0x38;
	[tilespmem:$0x18E00] =	vst v63  }
0x14f: {  	_ =	swait.ge [sflag:s8], $0x8000  }
0x150: {  	s0 =	sld [smem:$0x7F4]  }
0x151: {  	[sflag:s8] =	ssyncset.done $0x0  }
0x152: {  	s21 =	sld [smem:$0x7F5];
	[sflag:s8] =	ssyncadd.s32 $0xFFFF8000  }
0x153: {  	[tilespmem:s5], [sflag:$0x3] =	stream.indirect.gather [hbm4b:s3+s6], $0x80, s0, s6, $0xb8;
	[tilespmem:$0x18E00] =	vst v63  }
0x154: {  	_ = 	snop  }
0x155: {  	[tilespmem:s10], [sflag:$0x4] =	stream.indirect.gather [hbm4b:s3+s6], $0x80, s21, s6, $0xb8;
	[tilespmem:$0x18E00] =	vst v63  }
0x156: {  	_ =	swait.ge [sflag:s17], $0x4000  }
0x157: {  	[sflag:s17] =	ssyncset.done $0x0  }
0x158: {  	[sflag:s17] =	ssyncadd.s32 $0xFFFFC000  }
0x159: {  	_ =	swait.ge [sflag:s18], $0x4000  }
0x15a: {  	[sflag:s18] =	ssyncset.done $0x0  }
0x15b: {  	s21 =	rddreg [dreg:$0x10];
	[sflag:s18] =	ssyncadd.s32 $0xFFFFC000  }
0x15c: {  	[hbm4b:s21+s2] =	stream.linear.scatter [tilespmem:s9], [sflag:$0x9], $0x8000, $0x38;
	[tilespmem:$0x18E00] =	vst v63  }
0x15d: {  	_ =	swait.ge [sflag:s15], $0x8000  }
0x15e: {  	s0 =	sld [smem:$0x7F6]  }
0x15f: {  	[sflag:s15] =	ssyncset.done $0x0  }
0x160: {  	s21 =	sld [smem:$0x7F7];
	[sflag:s15] =	ssyncadd.s32 $0xFFFF8000  }
0x161: {  	[tilespmem:s9], [sflag:$0x5] =	stream.indirect.gather [hbm4b:s3+s6], $0x80, s0, s6, $0xb8;
	[tilespmem:$0x18E00] =	vst v63  }
0x162: {  	_ = 	snop  }
0x163: {  	[tilespmem:s20], [sflag:$0x6] =	stream.indirect.gather [hbm4b:s3+s6], $0x80, s21, s6, $0xb8;
	[tilespmem:$0x18E00] =	vst v63  }
0x164: {  	_ =	swait.ge [sflag:s12], $0x4000  }
0x165: {  	[sflag:s12] =	ssyncset.done $0x0  }
0x166: {  	[sflag:s12] =	ssyncadd.s32 $0xFFFFC000  }
0x167: {  	_ =	swait.ge [sflag:s11], $0x4000  }
0x168: {  	[sflag:s11] =	ssyncset.done $0x0  }
0x169: {  	s21 =	rddreg [dreg:$0x11];
	[sflag:s11] =	ssyncadd.s32 $0xFFFFC000  }
0x16a: {  	[hbm4b:s21+s2] =	stream.linear.scatter [tilespmem:s4], [sflag:$0x7], $0x8000, $0x38;
	[tilespmem:$0x18E00] =	vst v63  }
0x16b: {  	_ =	swait.ge [sflag:s7], $0x8000  }
0x16c: {  	s0 =	sld [smem:$0x7F8]  }
0x16d: {  	[sflag:s7] =	ssyncset.done $0x0  }
0x16e: {  	s21 =	sld [smem:$0x7F9];
	[sflag:s7] =	ssyncadd.s32 $0xFFFF8000  }
0x16f: {  	[tilespmem:s4], [sflag:$0x1] =	stream.indirect.gather [hbm4b:s3+s6], $0x80, s0, s6, $0xb8;
	[tilespmem:$0x18E00] =	vst v63  }
0x170: {  	_ = 	snop  }
0x171: {  	[tilespmem:s16], [sflag:$0x2] =	stream.indirect.gather [hbm4b:s3+s6], $0x80, s21, s6, $0xb8;
	[tilespmem:$0x18E00] =	vst v63  }
0x172: {  	_ =	swait.ge [sflag:s14], $0x4000  }
0x173: {  	[sflag:s14] =	ssyncset.done $0x0  }
0x174: {  	[sflag:s14] =	ssyncadd.s32 $0xFFFFC000  }
0x175: {  	_ =	swait.ge [sflag:s13], $0x4000  }
0x176: {  	[sflag:s13] =	ssyncset.done $0x0  }
0x177: {  	s21 =	rddreg [dreg:$0x12];
	[sflag:s13] =	ssyncadd.s32 $0xFFFFC000  }
0x178: {  	[hbm4b:s21+s2] =	stream.linear.scatter [tilespmem:s5], [sflag:$0x8], $0x8000, $0x38;
	[tilespmem:$0x18E00] =	vst v63  }
0x179: {  	_ =	swait.ge [sflag:s8], $0x8000  }
0x17a: {  	s0 =	sld [smem:$0x7FA]  }
0x17b: {  	[sflag:s8] =	ssyncset.done $0x0  }
0x17c: {  	s21 =	sld [smem:$0x7FB];
	[sflag:s8] =	ssyncadd.s32 $0xFFFF8000  }
0x17d: {  	[tilespmem:s5], [sflag:$0x3] =	stream.indirect.gather [hbm4b:s3+s6], $0x80, s0, s6, $0xb8;
	[tilespmem:$0x18E00] =	vst v63  }
0x17e: {  	_ = 	snop  }
0x17f: {  	[tilespmem:s10], [sflag:$0x4] =	stream.indirect.gather [hbm4b:s3+s6], $0x80, s21, s6, $0xb8;
	[tilespmem:$0x18E00] =	vst v63  }
0x180: {  	_ =	swait.ge [sflag:s17], $0x4000  }
0x181: {  	[sflag:s17] =	ssyncset.done $0x0  }
0x182: {  	[sflag:s17] =	ssyncadd.s32 $0xFFFFC000  }
0x183: {  	_ =	swait.ge [sflag:s18], $0x4000  }
0x184: {  	[sflag:s18] =	ssyncset.done $0x0  }
0x185: {  	s21 =	rddreg [dreg:$0x13];
	[sflag:s18] =	ssyncadd.s32 $0xFFFFC000  }
0x186: {  	[hbm4b:s21+s2] =	stream.linear.scatter [tilespmem:s9], [sflag:$0x9], $0x8000, $0x38;
	[tilespmem:$0x18E00] =	vst v63  }
0x187: {  	_ =	swait.ge [sflag:s15], $0x8000  }
0x188: {  	s0 =	sld [smem:$0x7FC]  }
0x189: {  	[sflag:s15] =	ssyncset.done $0x0  }
0x18a: {  	s21 =	sld [smem:$0x7FD];
	[sflag:s15] =	ssyncadd.s32 $0xFFFF8000  }
0x18b: {  	[tilespmem:s9], [sflag:$0x5] =	stream.indirect.gather [hbm4b:s3+s6], $0x80, s0, s6, $0xb8;
	[tilespmem:$0x18E00] =	vst v63  }
0x18c: {  	_ = 	snop  }
0x18d: {  	[tilespmem:s20], [sflag:$0x6] =	stream.indirect.gather [hbm4b:s3+s6], $0x80, s21, s6, $0xb8;
	[tilespmem:$0x18E00] =	vst v63  }
0x18e: {  	_ =	swait.ge [sflag:s12], $0x4000  }
0x18f: {  	[sflag:s12] =	ssyncset.done $0x0  }
0x190: {  	[sflag:s12] =	ssyncadd.s32 $0xFFFFC000  }
0x191: {  	_ =	swait.ge [sflag:s11], $0x4000  }
0x192: {  	[sflag:s11] =	ssyncset.done $0x0  }
0x193: {  	s21 =	rddreg [dreg:$0x14];
	[sflag:s11] =	ssyncadd.s32 $0xFFFFC000  }
0x194: {  	[hbm4b:s21+s2] =	stream.linear.scatter [tilespmem:s4], [sflag:$0x7], $0x8000, $0x38;
	[tilespmem:$0x18E00] =	vst v63  }
0x195: {  	_ =	swait.ge [sflag:s7], $0x8000  }
0x196: {  	[sflag:s7] =	ssyncset.done $0x0  }
0x197: {  	s21 =	simm.s32 $0xC00;
	[sflag:s7] =	ssyncadd.s32 $0xFFFF8000  }
0x198: {  	[tilespmem:s4], [sflag:$0x1] =	stream.indirect.gather [hbm4b:s3+s6], $0x80, s21, s6, $0xb8;
	[tilespmem:$0x18E00] =	vst v63  }
0x199: {  	_ = 	snop  }
0x19a: {  	[tilespmem:s16], [sflag:$0x2] =	stream.indirect.gather [hbm4b:s3+s6], $0x80, s24, s6, $0xb8;
	[tilespmem:$0x18E00] =	vst v63  }
0x19b: {  	_ =	swait.ge [sflag:s14], $0x4000  }
0x19c: {  	[sflag:s14] =	ssyncset.done $0x0  }
0x19d: {  	[sflag:s14] =	ssyncadd.s32 $0xFFFFC000  }
0x19e: {  	_ =	swait.ge [sflag:s13], $0x4000  }
0x19f: {  	[sflag:s13] =	ssyncset.done $0x0  }
0x1a0: {  	s21 =	rddreg [dreg:$0x15];
	[sflag:s13] =	ssyncadd.s32 $0xFFFFC000  }
0x1a1: {  	[hbm4b:s21+s2] =	stream.linear.scatter [tilespmem:s5], [sflag:$0x8], $0x8000, $0x38;
	[tilespmem:$0x18E00] =	vst v63  }
0x1a2: {  	_ =	swait.ge [sflag:s8], $0x8000  }
0x1a3: {  	[sflag:s8] =	ssyncset.done $0x0  }
0x1a4: {  	[sflag:s8] =	ssyncadd.s32 $0xFFFF8000  }
0x1a5: {  	[tilespmem:s5], [sflag:$0x3] =	stream.indirect.gather [hbm4b:s3+s6], $0x80, s22, s6, $0xb8;
	[tilespmem:$0x18E00] =	vst v63  }
0x1a6: {  	_ = 	snop  }
0x1a7: {  	[tilespmem:s10], [sflag:$0x4] =	stream.indirect.gather [hbm4b:s3+s6], $0x80, s23, s6, $0xb8;
	[tilespmem:$0x18E00] =	vst v63  }
0x1a8: {  	_ =	swait.ge [sflag:s17], $0x4000  }
0x1a9: {  	[sflag:s17] =	ssyncset.done $0x0  }
0x1aa: {  	[sflag:s17] =	ssyncadd.s32 $0xFFFFC000  }
0x1ab: {  	_ =	swait.ge [sflag:s18], $0x4000  }
0x1ac: {  	[sflag:s18] =	ssyncset.done $0x0  }
0x1ad: {  	s21 =	rddreg [dreg:$0x16];
	[sflag:s18] =	ssyncadd.s32 $0xFFFFC000  }
0x1ae: {  	[hbm4b:s21+s2] =	stream.linear.scatter [tilespmem:s9], [sflag:$0x9], $0x8000, $0x38;
	[tilespmem:$0x18E00] =	vst v63  }
0x1af: {  	_ =	swait.ge [sflag:s12], $0x4000  }
0x1b0: {  	[sflag:s12] =	ssyncset.done $0x0  }
0x1b1: {  	[sflag:s12] =	ssyncadd.s32 $0xFFFFC000  }
0x1b2: {  	_ =	swait.ge [sflag:s11], $0x4000  }
0x1b3: {  	[sflag:s11] =	ssyncset.done $0x0  }
0x1b4: {  	s21 =	rddreg [dreg:$0x17];
	[sflag:s11] =	ssyncadd.s32 $0xFFFFC000  }
0x1b5: {  	[hbm4b:s21+s2] =	stream.linear.scatter [tilespmem:s4], [sflag:$0x7], $0x8000, $0x38;
	[tilespmem:$0x18E00] =	vst v63  }
0x1b6: {  	_ =	swait.ge [sflag:s14], $0x4000  }
0x1b7: {  	[sflag:s14] =	ssyncset.done $0x0  }
0x1b8: {  	[sflag:s14] =	ssyncadd.s32 $0xFFFFC000  }
0x1b9: {  	_ =	swait.ge [sflag:s13], $0x4000  }
0x1ba: {  	[sflag:s13] =	ssyncset.done $0x0  }
0x1bb: {  	s21 =	rddreg [dreg:$0x18];
	[sflag:s13] =	ssyncadd.s32 $0xFFFFC000  }
0x1bc: {  	[hbm4b:s21+s2] =	stream.linear.scatter [tilespmem:s5], [sflag:$0x8], $0x8000, $0x38;
	[tilespmem:$0x18E00] =	vst v63  }
0x1bd: {  	_ =	swait.ge [sflag:s7], $0x8000  }
0x1be: {  	[sflag:s7] =	ssyncset.done $0x0  }
0x1bf: {  	p1 =	sne.s32 s1, $0x1;
	[sflag:s7] =	ssyncadd.s32 $0xFFFF8000  }
.Ltmp2:
0x1c0: {  	_ =	swait.ge [sflag:s8], $0x8000;
	(pc) =	sbr.rel @p1 .LBB2_4-.Ltmp2, $4  }
0x1c1: {  	[sflag:s8] =	ssyncset.done $0x0  }
0x1c2: {  	[sflag:s8] =	ssyncadd.s32 $0xFFFF8000  }
0x1c3: {  	_ =	swait.ge [sflag:s15], $0x8000  }
0x1c4: {  	s1 =	sadd.s32 $0xFFFFFFFF, s1;
	s0 =	rddreg [dreg:$0x9];
	[sflag:s15] =	ssyncset.done $0x0  }
0x1c5: {  	s23 =	simm.s32 $0xC80  }
0x1c6: {  	s24 =	simm.s32 $0xC00;
	s22 =	simm.s32 $0xD00;
	s21 =	stileid.u32  }
.LBB2_6:
0x1c7: {  	[sflag:s15] =	ssyncadd.s32 @p0 $0xFFFF8000  }
0x1c8: {  	[tilespmem:s2], [sflag:$0xA] =	stream.linear.gather [hbm4b:s0+s2], $0x200, $0x38;
	[tilespmem:$0x18E00] =	vst v63  }
0x1c9: {  	s1 =	rddreg [dreg:$0xa]  }
0x1ca: {  	[tilespmem:s28], [sflag:$0xB] =	stream.linear.gather [hbm4b:s1+s2], $0x200, $0x38;
	[tilespmem:$0x18E00] =	vst v63  }
0x1cb: {  	s0 =	rddreg [dreg:$0xb]  }
0x1cc: {  	[tilespmem:s26], [sflag:$0xC] =	stream.linear.gather [hbm4b:s0+s2], $0xA00, $0x38;
	[tilespmem:$0x18E00] =	vst v63  }
0x1cd: {  	_ =	swait.ge [sflag:s29], $0x200  }
0x1ce: {  	[sflag:s29] =	ssyncset.done $0x0  }
0x1cf: {  	[sflag:s29] =	ssyncadd.s32 $0xFFFFFE00  }
0x1d0: {  	[tilespmem:s4], [sflag:$0x1] =	stream.indirect.gather [hbm4b:s19+s6], $0x80, s2, s6, $0xb8;
	[tilespmem:$0x18E00] =	vst v63  }
0x1d1: {  	_ = 	snop  }
0x1d2: {  	[tilespmem:s16], [sflag:$0x2] =	stream.indirect.gather [hbm4b:s19+s6], $0x80, s6, s6, $0xb8;
	[tilespmem:$0x18E00] =	vst v63  }
0x1d3: {  	_ =	swait.ge [sflag:s30], $0x200  }
0x1d4: {  	[sflag:s30] =	ssyncset.done $0x0  }
0x1d5: {  	[sflag:s30] =	ssyncadd.s32 $0xFFFFFE00  }
0x1d6: {  	[tilespmem:s5], [sflag:$0x3] =	stream.indirect.gather [hbm4b:s3+s6], $0x80, s28, s6, $0xb8;
	[tilespmem:$0x18E00] =	vst v63  }
0x1d7: {  	s1 =	rddreg [dreg:$0x19]  }
0x1d8: {  	[tilespmem:s10], [sflag:$0x4] =	stream.indirect.gather [hbm4b:s3+s6], $0x80, s1, s6, $0xb8;
	[tilespmem:$0x18E00] =	vst v63  }
0x1d9: {  	_ =	swait.ge [sflag:s31], $0xA00  }
0x1da: {  	[sflag:s31] =	ssyncset.done $0x0  }
0x1db: {  	[sflag:s31] =	ssyncadd.s32 $0xFFFFF600  }
0x1dc: {  	[tilespmem:s9], [sflag:$0x5] =	stream.indirect.gather [hbm4b:s3+s6], $0x80, s26, s6, $0xb8;
	[tilespmem:$0x18E00] =	vst v63  }
0x1dd: {  	s28 =	rddreg [dreg:$0x1a]  }
0x1de: {  	[tilespmem:s20], [sflag:$0x6] =	stream.indirect.gather [hbm4b:s3+s6], $0x80, s28, s6, $0xb8;
	[tilespmem:$0x18E00] =	vst v63  }
0x1df: {  	_ =	swait.ge [sflag:s12], $0x4000  }
0x1e0: {  	[sflag:s12] =	ssyncset.done $0x0  }
0x1e1: {  	[sflag:s12] =	ssyncadd.s32 $0xFFFFC000  }
0x1e2: {  	_ =	swait.ge [sflag:s11], $0x4000  }
0x1e3: {  	[sflag:s11] =	ssyncset.done $0x0  }
0x1e4: {  	s29 =	rddreg [dreg:$0xc];
	[sflag:s11] =	ssyncadd.s32 $0xFFFFC000  }
0x1e5: {  	[hbm4b:s29+s2] =	stream.linear.scatter [tilespmem:s4], [sflag:$0x7], $0x8000, $0x38;
	[tilespmem:$0x18E00] =	vst v63  }
0x1e6: {  	_ =	swait.ge [sflag:s7], $0x8000  }
0x1e7: {  	[sflag:s7] =	ssyncset.done $0x0  }
0x1e8: {  	s30 =	rddreg [dreg:$0x1b];
	[sflag:s7] =	ssyncadd.s32 $0xFFFF8000  }
0x1e9: {  	[tilespmem:s4], [sflag:$0x1] =	stream.indirect.gather [hbm4b:s3+s6], $0x80, s30, s6, $0xb8;
	[tilespmem:$0x18E00] =	vst v63  }
0x1ea: {  	s31 =	rddreg [dreg:$0x1c]  }
0x1eb: {  	[tilespmem:s16], [sflag:$0x2] =	stream.indirect.gather [hbm4b:s3+s6], $0x80, s31, s6, $0xb8;
	[tilespmem:$0x18E00] =	vst v63  }
0x1ec: {  	_ =	swait.ge [sflag:s14], $0x4000  }
0x1ed: {  	[sflag:s14] =	ssyncset.done $0x0  }
0x1ee: {  	[sflag:s14] =	ssyncadd.s32 $0xFFFFC000  }
0x1ef: {  	_ =	swait.ge [sflag:s13], $0x4000  }
0x1f0: {  	[sflag:s13] =	ssyncset.done $0x0  }
0x1f1: {  	s1 =	rddreg [dreg:$0xd];
	[sflag:s13] =	ssyncadd.s32 $0xFFFFC000  }
0x1f2: {  	[hbm4b:s1+s2] =	stream.linear.scatter [tilespmem:s5], [sflag:$0x8], $0x8000, $0x38;
	[tilespmem:$0x18E00] =	vst v63  }
0x1f3: {  	_ =	swait.ge [sflag:s8], $0x8000  }
0x1f4: {  	[sflag:s8] =	ssyncset.done $0x0  }
0x1f5: {  	s26 =	rddreg [dreg:$0x1d];
	[sflag:s8] =	ssyncadd.s32 $0xFFFF8000  }
0x1f6: {  	[tilespmem:s5], [sflag:$0x3] =	stream.indirect.gather [hbm4b:s3+s6], $0x80, s26, s6, $0xb8;
	[tilespmem:$0x18E00] =	vst v63  }
0x1f7: {  	s28 =	rddreg [dreg:$0x1e]  }
0x1f8: {  	[tilespmem:s10], [sflag:$0x4] =	stream.indirect.gather [hbm4b:s3+s6], $0x80, s28, s6, $0xb8;
	[tilespmem:$0x18E00] =	vst v63  }
0x1f9: {  	_ =	swait.ge [sflag:s17], $0x4000  }
0x1fa: {  	[sflag:s17] =	ssyncset.done $0x0  }
0x1fb: {  	[sflag:s17] =	ssyncadd.s32 $0xFFFFC000  }
0x1fc: {  	_ =	swait.ge [sflag:s18], $0x4000  }
0x1fd: {  	[sflag:s18] =	ssyncset.done $0x0  }
0x1fe: {  	[sflag:s18] =	ssyncadd.s32 $0xFFFFC000  }
0x1ff: {  	[hbm4b:s25+s2] =	stream.linear.scatter [tilespmem:s9], [sflag:$0x9], $0x8000, $0x38;
	[tilespmem:$0x18E00] =	vst v63  }
0x200: {  	_ =	swait.ge [sflag:s15], $0x8000  }
0x201: {  	s29 =	rddreg [dreg:$0x1f];
	[sflag:s15] =	ssyncset.done $0x0  }
0x202: {  	s30 =	sld [smem:$0x7F1];
	[sflag:s15] =	ssyncadd.s32 $0xFFFF8000  }
0x203: {  	[tilespmem:s9], [sflag:$0x5] =	stream.indirect.gather [hbm4b:s19+s6], $0x80, s29, s6, $0xb8;
	[tilespmem:$0x18E00] =	vst v63  }
0x204: {  	_ = 	snop  }
0x205: {  	[tilespmem:s20], [sflag:$0x6] =	stream.indirect.gather [hbm4b:s19+s6], $0x80, s30, s6, $0xb8;
	[tilespmem:$0x18E00] =	vst v63  }
0x206: {  	_ =	swait.ge [sflag:s12], $0x4000  }
0x207: {  	[sflag:s12] =	ssyncset.done $0x0  }
0x208: {  	[sflag:s12] =	ssyncadd.s32 $0xFFFFC000  }
0x209: {  	_ =	swait.ge [sflag:s11], $0x4000  }
0x20a: {  	[sflag:s11] =	ssyncset.done $0x0  }
0x20b: {  	s31 =	rddreg [dreg:$0xe];
	[sflag:s11] =	ssyncadd.s32 $0xFFFFC000  }
0x20c: {  	[hbm4b:s31+s2] =	stream.linear.scatter [tilespmem:s4], [sflag:$0x7], $0x8000, $0x38;
	[tilespmem:$0x18E00] =	vst v63  }
0x20d: {  	_ =	swait.ge [sflag:s7], $0x8000  }
0x20e: {  	s1 =	sld [smem:$0x7F2]  }
0x20f: {  	[sflag:s7] =	ssyncset.done $0x0  }
0x210: {  	s19 =	sld [smem:$0x7F3];
	[sflag:s7] =	ssyncadd.s32 $0xFFFF8000  }
0x211: {  	[tilespmem:s4], [sflag:$0x1] =	stream.indirect.gather [hbm4b:s3+s6], $0x80, s1, s6, $0xb8;
	[tilespmem:$0x18E00] =	vst v63  }
0x212: {  	_ = 	snop  }
0x213: {  	[tilespmem:s16], [sflag:$0x2] =	stream.indirect.gather [hbm4b:s3+s6], $0x80, s19, s6, $0xb8;
	[tilespmem:$0x18E00] =	vst v63  }
0x214: {  	_ =	swait.ge [sflag:s14], $0x4000  }
0x215: {  	[sflag:s14] =	ssyncset.done $0x0  }
0x216: {  	[sflag:s14] =	ssyncadd.s32 $0xFFFFC000  }
0x217: {  	_ =	swait.ge [sflag:s13], $0x4000  }
0x218: {  	[sflag:s13] =	ssyncset.done $0x0  }
0x219: {  	s25 =	rddreg [dreg:$0xf];
	[sflag:s13] =	ssyncadd.s32 $0xFFFFC000  }
0x21a: {  	[hbm4b:s25+s2] =	stream.linear.scatter [tilespmem:s5], [sflag:$0x8], $0x8000, $0x38;
	[tilespmem:$0x18E00] =	vst v63  }
0x21b: {  	_ =	swait.ge [sflag:s8], $0x8000  }
0x21c: {  	s26 =	sld [smem:$0x7F4]  }
0x21d: {  	[sflag:s8] =	ssyncset.done $0x0  }
0x21e: {  	s28 =	sld [smem:$0x7F5];
	[sflag:s8] =	ssyncadd.s32 $0xFFFF8000  }
0x21f: {  	[tilespmem:s5], [sflag:$0x3] =	stream.indirect.gather [hbm4b:s3+s6], $0x80, s26, s6, $0xb8;
	[tilespmem:$0x18E00] =	vst v63  }
0x220: {  	_ = 	snop  }
0x221: {  	[tilespmem:s10], [sflag:$0x4] =	stream.indirect.gather [hbm4b:s3+s6], $0x80, s28, s6, $0xb8;
	[tilespmem:$0x18E00] =	vst v63  }
0x222: {  	_ =	swait.ge [sflag:s17], $0x4000  }
0x223: {  	[sflag:s17] =	ssyncset.done $0x0  }
0x224: {  	[sflag:s17] =	ssyncadd.s32 $0xFFFFC000  }
0x225: {  	_ =	swait.ge [sflag:s18], $0x4000  }
0x226: {  	[sflag:s18] =	ssyncset.done $0x0  }
0x227: {  	s29 =	rddreg [dreg:$0x10];
	[sflag:s18] =	ssyncadd.s32 $0xFFFFC000  }
0x228: {  	[hbm4b:s29+s2] =	stream.linear.scatter [tilespmem:s9], [sflag:$0x9], $0x8000, $0x38;
	[tilespmem:$0x18E00] =	vst v63  }
0x229: {  	_ =	swait.ge [sflag:s15], $0x8000  }
0x22a: {  	s30 =	sld [smem:$0x7F6]  }
0x22b: {  	[sflag:s15] =	ssyncset.done $0x0  }
0x22c: {  	s31 =	sld [smem:$0x7F7];
	[sflag:s15] =	ssyncadd.s32 $0xFFFF8000  }
0x22d: {  	[tilespmem:s9], [sflag:$0x5] =	stream.indirect.gather [hbm4b:s3+s6], $0x80, s30, s6, $0xb8;
	[tilespmem:$0x18E00] =	vst v63  }
0x22e: {  	_ = 	snop  }
0x22f: {  	[tilespmem:s20], [sflag:$0x6] =	stream.indirect.gather [hbm4b:s3+s6], $0x80, s31, s6, $0xb8;
	[tilespmem:$0x18E00] =	vst v63  }
0x230: {  	_ =	swait.ge [sflag:s12], $0x4000  }
0x231: {  	[sflag:s12] =	ssyncset.done $0x0  }
0x232: {  	[sflag:s12] =	ssyncadd.s32 $0xFFFFC000  }
0x233: {  	_ =	swait.ge [sflag:s11], $0x4000  }
0x234: {  	[sflag:s11] =	ssyncset.done $0x0  }
0x235: {  	s19 =	rddreg [dreg:$0x11];
	[sflag:s11] =	ssyncadd.s32 $0xFFFFC000  }
0x236: {  	[hbm4b:s19+s2] =	stream.linear.scatter [tilespmem:s4], [sflag:$0x7], $0x8000, $0x38;
	[tilespmem:$0x18E00] =	vst v63  }
0x237: {  	_ =	swait.ge [sflag:s7], $0x8000  }
0x238: {  	s25 =	sld [smem:$0x7F8]  }
0x239: {  	[sflag:s7] =	ssyncset.done $0x0  }
0x23a: {  	s26 =	sld [smem:$0x7F9];
	[sflag:s7] =	ssyncadd.s32 $0xFFFF8000  }
0x23b: {  	[tilespmem:s4], [sflag:$0x1] =	stream.indirect.gather [hbm4b:s3+s6], $0x80, s25, s6, $0xb8;
	[tilespmem:$0x18E00] =	vst v63  }
0x23c: {  	_ = 	snop  }
0x23d: {  	[tilespmem:s16], [sflag:$0x2] =	stream.indirect.gather [hbm4b:s3+s6], $0x80, s26, s6, $0xb8;
	[tilespmem:$0x18E00] =	vst v63  }
0x23e: {  	_ =	swait.ge [sflag:s14], $0x4000  }
0x23f: {  	[sflag:s14] =	ssyncset.done $0x0  }
0x240: {  	[sflag:s14] =	ssyncadd.s32 $0xFFFFC000  }
0x241: {  	_ =	swait.ge [sflag:s13], $0x4000  }
0x242: {  	[sflag:s13] =	ssyncset.done $0x0  }
0x243: {  	s28 =	rddreg [dreg:$0x12];
	[sflag:s13] =	ssyncadd.s32 $0xFFFFC000  }
0x244: {  	[hbm4b:s28+s2] =	stream.linear.scatter [tilespmem:s5], [sflag:$0x8], $0x8000, $0x38;
	[tilespmem:$0x18E00] =	vst v63  }
0x245: {  	_ =	swait.ge [sflag:s8], $0x8000  }
0x246: {  	s29 =	sld [smem:$0x7FA]  }
0x247: {  	[sflag:s8] =	ssyncset.done $0x0  }
0x248: {  	s30 =	sld [smem:$0x7FB];
	[sflag:s8] =	ssyncadd.s32 $0xFFFF8000  }
0x249: {  	[tilespmem:s5], [sflag:$0x3] =	stream.indirect.gather [hbm4b:s3+s6], $0x80, s29, s6, $0xb8;
	[tilespmem:$0x18E00] =	vst v63  }
0x24a: {  	_ = 	snop  }
0x24b: {  	[tilespmem:s10], [sflag:$0x4] =	stream.indirect.gather [hbm4b:s3+s6], $0x80, s30, s6, $0xb8;
	[tilespmem:$0x18E00] =	vst v63  }
0x24c: {  	_ =	swait.ge [sflag:s17], $0x4000  }
0x24d: {  	[sflag:s17] =	ssyncset.done $0x0  }
0x24e: {  	[sflag:s17] =	ssyncadd.s32 $0xFFFFC000  }
0x24f: {  	_ =	swait.ge [sflag:s18], $0x4000  }
0x250: {  	[sflag:s18] =	ssyncset.done $0x0  }
0x251: {  	s31 =	rddreg [dreg:$0x13];
	[sflag:s18] =	ssyncadd.s32 $0xFFFFC000  }
0x252: {  	[hbm4b:s31+s2] =	stream.linear.scatter [tilespmem:s9], [sflag:$0x9], $0x8000, $0x38;
	[tilespmem:$0x18E00] =	vst v63  }
0x253: {  	_ =	swait.ge [sflag:s15], $0x8000  }
0x254: {  	s1 =	sld [smem:$0x7FC]  }
0x255: {  	[sflag:s15] =	ssyncset.done $0x0  }
0x256: {  	s19 =	sld [smem:$0x7FD];
	[sflag:s15] =	ssyncadd.s32 $0xFFFF8000  }
0x257: {  	[tilespmem:s9], [sflag:$0x5] =	stream.indirect.gather [hbm4b:s3+s6], $0x80, s1, s6, $0xb8;
	[tilespmem:$0x18E00] =	vst v63  }
0x258: {  	_ = 	snop  }
0x259: {  	[tilespmem:s20], [sflag:$0x6] =	stream.indirect.gather [hbm4b:s3+s6], $0x80, s19, s6, $0xb8;
	[tilespmem:$0x18E00] =	vst v63  }
0x25a: {  	_ =	swait.ge [sflag:s12], $0x4000  }
0x25b: {  	[sflag:s12] =	ssyncset.done $0x0  }
0x25c: {  	[sflag:s12] =	ssyncadd.s32 $0xFFFFC000  }
0x25d: {  	_ =	swait.ge [sflag:s11], $0x4000  }
0x25e: {  	[sflag:s11] =	ssyncset.done $0x0  }
0x25f: {  	s25 =	rddreg [dreg:$0x14];
	[sflag:s11] =	ssyncadd.s32 $0xFFFFC000  }
0x260: {  	[hbm4b:s25+s2] =	stream.linear.scatter [tilespmem:s4], [sflag:$0x7], $0x8000, $0x38;
	[tilespmem:$0x18E00] =	vst v63  }
0x261: {  	_ =	swait.ge [sflag:s7], $0x8000  }
0x262: {  	[sflag:s7] =	ssyncset.done $0x0  }
0x263: {  	[sflag:s7] =	ssyncadd.s32 $0xFFFF8000  }
0x264: {  	[tilespmem:s4], [sflag:$0x1] =	stream.indirect.gather [hbm4b:s3+s6], $0x80, s24, s6, $0xb8;
	[tilespmem:$0x18E00] =	vst v63  }
0x265: {  	_ = 	snop  }
0x266: {  	[tilespmem:s16], [sflag:$0x2] =	stream.indirect.gather [hbm4b:s3+s6], $0x80, s23, s6, $0xb8;
	[tilespmem:$0x18E00] =	vst v63  }
0x267: {  	_ =	swait.ge [sflag:s14], $0x4000  }
0x268: {  	[sflag:s14] =	ssyncset.done $0x0  }
0x269: {  	[sflag:s14] =	ssyncadd.s32 $0xFFFFC000  }
0x26a: {  	_ =	swait.ge [sflag:s13], $0x4000  }
0x26b: {  	[sflag:s13] =	ssyncset.done $0x0  }
0x26c: {  	s26 =	rddreg [dreg:$0x15];
	[sflag:s13] =	ssyncadd.s32 $0xFFFFC000  }
0x26d: {  	[hbm4b:s26+s2] =	stream.linear.scatter [tilespmem:s5], [sflag:$0x8], $0x8000, $0x38;
	[tilespmem:$0x18E00] =	vst v63  }
0x26e: {  	_ =	swait.ge [sflag:s8], $0x8000  }
0x26f: {  	[sflag:s8] =	ssyncset.done $0x0  }
0x270: {  	[sflag:s8] =	ssyncadd.s32 $0xFFFF8000  }
0x271: {  	[tilespmem:s5], [sflag:$0x3] =	stream.indirect.gather [hbm4b:s3+s6], $0x80, s22, s6, $0xb8;
	[tilespmem:$0x18E00] =	vst v63  }
0x272: {  	s28 =	simm.s32 $0xD80  }
0x273: {  	[tilespmem:s10], [sflag:$0x4] =	stream.indirect.gather [hbm4b:s3+s6], $0x80, s28, s6, $0xb8;
	[tilespmem:$0x18E00] =	vst v63  }
0x274: {  	_ =	swait.ge [sflag:s17], $0x4000  }
0x275: {  	[sflag:s17] =	ssyncset.done $0x0  }
0x276: {  	[sflag:s17] =	ssyncadd.s32 $0xFFFFC000  }
0x277: {  	_ =	swait.ge [sflag:s18], $0x4000  }
0x278: {  	[sflag:s18] =	ssyncset.done $0x0  }
0x279: {  	s29 =	rddreg [dreg:$0x16];
	[sflag:s18] =	ssyncadd.s32 $0xFFFFC000  }
0x27a: {  	[hbm4b:s29+s2] =	stream.linear.scatter [tilespmem:s9], [sflag:$0x9], $0x8000, $0x38;
	[tilespmem:$0x18E00] =	vst v63  }
0x27b: {  	_ =	swait.ge [sflag:s12], $0x4000  }
0x27c: {  	[sflag:s12] =	ssyncset.done $0x0  }
0x27d: {  	[sflag:s12] =	ssyncadd.s32 $0xFFFFC000  }
0x27e: {  	_ =	swait.ge [sflag:s11], $0x4000  }
0x27f: {  	[sflag:s11] =	ssyncset.done $0x0  }
0x280: {  	s30 =	rddreg [dreg:$0x17];
	[sflag:s11] =	ssyncadd.s32 $0xFFFFC000  }
0x281: {  	[hbm4b:s30+s2] =	stream.linear.scatter [tilespmem:s4], [sflag:$0x7], $0x8000, $0x38;
	[tilespmem:$0x18E00] =	vst v63  }
0x282: {  	_ =	swait.ge [sflag:s14], $0x4000  }
0x283: {  	[sflag:s14] =	ssyncset.done $0x0  }
0x284: {  	[sflag:s14] =	ssyncadd.s32 $0xFFFFC000  }
0x285: {  	_ =	swait.ge [sflag:s13], $0x4000  }
0x286: {  	[sflag:s13] =	ssyncset.done $0x0  }
0x287: {  	s31 =	rddreg [dreg:$0x18];
	[sflag:s13] =	ssyncadd.s32 $0xFFFFC000  }
0x288: {  	[hbm4b:s31+s2] =	stream.linear.scatter [tilespmem:s5], [sflag:$0x8], $0x8000, $0x38;
	[tilespmem:$0x18E00] =	vst v63  }
0x289: {  	_ =	swait.ge [sflag:s7], $0x8000  }
0x28a: {  	[sflag:s7] =	ssyncset.done $0x0  }
0x28b: {  	[sflag:s7] =	ssyncadd.s32 $0xFFFF8000  }
0x28c: {  	_ =	swait.ge [sflag:s8], $0x8000  }
0x28d: {  	[sflag:s8] =	ssyncset.done $0x0  }
0x28e: {  	[sflag:s8] =	ssyncadd.s32 $0xFFFF8000  }
0x28f: {  	_ =	swait.ge [sflag:s15], $0x8000  }
0x290: {  	[sflag:s15] =	ssyncset.done $0x0  }
0x291: {  	[sflag:s15] =	ssyncadd.s32 $0xFFFF8000  }
0x292: {  	_ =	sfence.sel $0x180000  }
0x293: {  	[bflag:$0x0] =	sbarrier.arrive $0xFFFF  }
0x294: {  	_ =	strace $0x90000047  }
0x295: {  	[bflag:$0x2] =	sbarrier.arrive $0xFFFF  }
0x296: {  	p0 =	sne.s32 s21, $0x0;
	s0 =	rddreg [dreg:$0x8]  }
0x297: {  	s0 =	sadd.s32 @!p0 $0x100000, s0  }
0x298: {  	[sflag:s0] =	ssyncadd.tile.s32 @!p0 $0x1;
	_ =	shalt  }
.LBB2_1:
.Ltmp3:
0x299: {  	(pc) =	sbr.rel .LBB2_6-.Ltmp3, $2  }
0x29a: {  	_ =	sdelay $0x2  }
0x29b: {  	s23 =	simm.s32 $0xC80;
	s24 =	simm.s32 $0xC00;
	s22 =	simm.s32 $0xD00  }
.LBB2_3:
.Ltmp4:
0x29c: {  	(pc) =	sbr.rel .LBB2_6-.Ltmp4, $3  }
0x29d: {  	_ =	sdelay $0x1  }
0x29e: {  	s23 =	simm.s32 $0xC80  }
0x29f: {  	s24 =	simm.s32 $0xC00;
	s22 =	simm.s32 $0xD00;
	s21 =	stileid.u32  }
.Lfunc_end2:
_tile_overlayer_lowered:
.L_overlay_start_2:
0x2a0: {  	(tag) =	ssettag $0x2  }
0x2a1: {  	s0 =	rddreg [dreg:$0x0];
	s2 =	stileid.u32  }
0x2a2: {  	s1 =	rddreg [dreg:$0x1];
	p0 =	sne.s32 s2, $0x0  }
0x2a3: {  	s3 =	rddreg [dreg:$0x2];
	[bflag:$0x3] =	sbarrier.arrive $0xFFFF;
	s2 =	simm.s32 @!p0 $0x1C0D  }
0x2a4: {  	[timem:s3], [sflag:s2] =	dma.local @!p0 [hbm:s0], s1  }
0x2a5: {  	s0 =	simm.s32 @!p0 $0xD  }
0x2a6: {  	_ =	swait.ge @!p0 [sflag:s0], s1  }
0x2a7: {  	s1 =	ssub.s32 @!p0 $0x0, s1;
	[sflag:s0] =	ssyncset.done @!p0 $0x0  }
0x2a8: {  	[sflag:s0] =	ssyncadd.s32 @!p0 s1  }
0x2a9: {  	[bflag:$0x3] =	sbarrier.arrive $0xFFFF  }
0x2aa: {  	_ =	shalt  }

</sc_bundles>
